<compile_context>
chip_gen: v7x
topology: tpu7x:2x2x1
jax: 0.10.2.dev20260603
libtpu: 0.0.44.dev20260713+nightly
codegen_flags: <defaults>
</compile_context>

<pallas_src>
import functools

import jax
import jax.numpy as jnp
from jax import lax
from jax.experimental import pallas as pl
from jax.experimental.pallas import tpu as pltpu
from jax.experimental.pallas import tpu_sc as plsc

HIDDEN = 768
EPS = 1e-12

_INFO = plsc.get_sparse_core_info()
_NC = _INFO.num_cores
_NS = _INFO.num_subcores
_NW = _NC * _NS

_B, _S = 4, 2048
_TOKENS = _B * _S
_HALVES = 2
_BH = _B // _HALVES
_NTOK = _BH * _S
_TOK_PER_W = _NTOK // _NW
_CH = 64
_NCH = _TOK_PER_W // _CH


def _sc_gather(input_ids, token_table, half):
    mesh = plsc.VectorSubcoreMesh(core_axis_name="c", subcore_axis_name="s")
    w_per_seq = _S // _TOK_PER_W

    @functools.partial(
        pl.kernel,
        mesh=mesh,
        out_type=jax.ShapeDtypeStruct((_NTOK, HIDDEN), jnp.float32),
        scratch_types=[
            pltpu.VMEM((_TOK_PER_W,), jnp.int32),
            pltpu.VMEM((_CH, HIDDEN), jnp.float32),
            pltpu.VMEM((_CH, HIDDEN), jnp.float32),
            pltpu.SemaphoreType.DMA,
            pltpu.SemaphoreType.DMA,
            pltpu.SemaphoreType.DMA,
            pltpu.SemaphoreType.DMA,
        ],
    )
    def k(ids_ref, table_ref, out_ref, idx_v, buf0, buf1,
          sem0, sem1, wsem0, wsem1):
        wid = lax.axis_index("s") * _NC + lax.axis_index("c")
        base = wid * _TOK_PER_W
        row = half * _BH + wid // w_per_seq
        col = (wid % w_per_seq) * _TOK_PER_W
        pltpu.sync_copy(ids_ref.at[row, pl.ds(col, _TOK_PER_W)], idx_v)
        bufs = (buf0, buf1)
        gsems = (sem0, sem1)
        wsems = (wsem0, wsem1)
        gcps = [pltpu.async_copy(
                    table_ref.at[idx_v.at[pl.ds(c * _CH, _CH)]],
                    bufs[c], gsems[c])
                for c in range(_NCH)]
        wcps = []
        for c in range(_NCH):
            gcps[c].wait()
            wcps.append(pltpu.async_copy(
                bufs[c], out_ref.at[pl.ds(base + c * _CH, _CH)], wsems[c]))
        for w in wcps:
            w.wait()

    return k(input_ids, token_table)


def _tc_ln_body(*refs):
    g_ref, p_ref, gamma_ref, beta_ref = refs[:4]
    o_ref = refs[-1]
    x = g_ref[...] + p_ref[...]
    mean = jnp.mean(x, axis=-1, keepdims=True)
    xc = x - mean
    var = jnp.mean(xc * xc, axis=-1, keepdims=True)
    o_ref[...] = ((xc * lax.rsqrt(var + EPS)) * gamma_ref[...][None, :]
                  + beta_ref[...][None, :])


def _tc_ln_into(gathered, pos_table, gamma, beta, dst, half):
    hs = _S // 2
    in_specs = [
        pl.BlockSpec((hs, HIDDEN), lambda i, j: (j * 2 + i, 0)),
        pl.BlockSpec((hs, HIDDEN), lambda i, j: (i, 0)),
        pl.BlockSpec((HIDDEN,), lambda i, j: (0,)),
        pl.BlockSpec((HIDDEN,), lambda i, j: (0,)),
    ]
    args = [gathered, pos_table, gamma, beta]
    aliases = {}
    if dst is not None:
        in_specs.append(pl.BlockSpec(memory_space=pltpu.MemorySpace.HBM))
        args.append(dst)
        aliases = {4: 0}
    return pl.pallas_call(
        _tc_ln_body,
        grid=(2, _BH),
        in_specs=in_specs,
        out_specs=pl.BlockSpec((hs, HIDDEN),
                               lambda i, j: ((half * _BH + j) * 2 + i, 0)),
        out_shape=jax.ShapeDtypeStruct((_TOKENS, HIDDEN), jnp.float32),
        input_output_aliases=aliases,
    )(*args)


def kernel(input_ids, token_table, pos_table, gamma, beta):
    B, S = input_ids.shape
    g = [_sc_gather(input_ids, token_table, h) for h in range(_HALVES)]
    dst = None
    for h in range(_HALVES):
        dst = _tc_ln_into(g[h], pos_table, gamma, beta, dst, h)
    return dst.reshape(B, S, HIDDEN)

# --- scband reference (transcript-rebuilt; emitter-appended) ---
"""Pipeline reference for scband-nawal-embeddings-36558761624386 (READ-ONLY COPY).

The authoritative reference and input builder live on the scoring server;
editing this copy changes nothing except your own understanding.
"""

import jax, jax.numpy as jnp
import numpy as np

VOCAB = 52000
HIDDEN = 768
MAX_POS = 2048
PAD_ID = 0
EPS = 1e-12


def setup_inputs(seed: int = 0) -> dict:
    key = jax.random.key(seed)
    k1, k2, k3 = jax.random.split(key, 3)
    input_ids = jax.random.randint(k1, (4, 2048), 0, VOCAB, dtype=jnp.int64 if jax.config.jax_enable_x64 else jnp.int32).astype(jnp.int32)
    token_table = 0.02 * jax.random.normal(k2, (VOCAB, HIDDEN), dtype=jnp.float32)
    token_table = token_table.at[PAD_ID].set(0.0)
    pos_table = 0.02 * jax.random.normal(k3, (MAX_POS, HIDDEN), dtype=jnp.float32)
    gamma = jnp.ones((HIDDEN,), dtype=jnp.float32)
    beta = jnp.zeros((HIDDEN,), dtype=jnp.float32)
    return {"input_ids": input_ids, "token_table": token_table, "pos_table": pos_table, "gamma": gamma, "beta": beta}


def reference(input_ids, token_table, pos_table, gamma, beta):
    B, S = input_ids.shape
    position_ids = jnp.broadcast_to(jnp.arange(S, dtype=input_ids.dtype)[None, :], (B, S))
    token_embeds = jnp.take(token_table, input_ids, axis=0)
    position_embeds = jnp.take(pos_table, position_ids, axis=0)
    embeddings = token_embeds + position_embeds
    mean = jnp.mean(embeddings, axis=-1, keepdims=True)
    var = jnp.mean(jnp.square(embeddings - mean), axis=-1, keepdims=True)
    normed = (embeddings - mean) / jnp.sqrt(var + EPS)
    out = normed * gamma + beta
    # dropout is identity in eval mode
    return out

if __name__ == "__main__":
    import jax
    _d = setup_inputs()
    print(jax.jit(kernel)(*tuple(_d.values())))

</pallas_src>

<mosaic_0001>
#map = affine_map<(d0, d1) -> (0, 0)>
module attributes {stable_mosaic.version = 14 : i64} {
  func.func @k(%arg0: i32, %arg1: i32, %arg2: memref<4x2048xi32, #tpu.memory_space<hbm>>, %arg3: memref<52000x768xf32, #tpu.memory_space<hbm>>, %arg4: memref<4096x768xf32, #tpu.memory_space<hbm>>, %arg5: memref<128xi32, #tpu.memory_space<vmem>>, %arg6: memref<64x768xf32, #tpu.memory_space<vmem>>, %arg7: memref<64x768xf32, #tpu.memory_space<vmem>>, %arg8: memref<!tpu.dma_semaphore, #tpu.memory_space<semaphore_mem>>, %arg9: memref<!tpu.dma_semaphore, #tpu.memory_space<semaphore_mem>>, %arg10: memref<!tpu.dma_semaphore, #tpu.memory_space<semaphore_mem>>, %arg11: memref<!tpu.dma_semaphore, #tpu.memory_space<semaphore_mem>>) attributes {dimension_semantics = [#tpu.dimension_semantics<core_parallel>, #tpu.dimension_semantics<subcore_parallel>], iteration_bounds = array<i64: 2, 16>, scalar_prefetch = 0 : i64, scratch_operands = 7 : i64, tpu.core_type = #tpu.core_type<sc_vector_subcore>, window_params = [{transform_indices = #map}, {transform_indices = #map}, {transform_indices = #map}]} {
    %mul3A = arith.constant 2 : i32
    %mul3A_0 = arith.muli %arg1, %mul3A : i32
    %add3A = arith.addi %mul3A_0, %arg0 : i32
    %mul3A_1 = arith.constant 128 : i32
    %mul3A_2 = arith.muli %add3A, %mul3A_1 : i32
    %jit3A = arith.constant 16 : i32
    %div3A = arith.divsi %add3A, %jit3A : i32
    %sign3A = arith.constant 0 : i32
    %sign3A_3 = arith.cmpi sgt, %add3A, %sign3A : i32
    %sign3A_4 = arith.extui %sign3A_3 : i1 to i32
    %sign3A_5 = arith.constant 0 : i32
    %sign3A_6 = arith.cmpi slt, %add3A, %sign3A_5 : i32
    %sign3A_7 = arith.extui %sign3A_6 : i1 to i32
    %sign3A_8 = arith.subi %sign3A_4, %sign3A_7 : i32
    %sign3A_9 = arith.constant 0 : i32
    %sign3A_10 = arith.cmpi sgt, %jit3A, %sign3A_9 : i32
    %sign3A_11 = arith.extui %sign3A_10 : i1 to i32
    %sign3A_12 = arith.constant 0 : i32
    %sign3A_13 = arith.cmpi slt, %jit3A, %sign3A_12 : i32
    %sign3A_14 = arith.extui %sign3A_13 : i1 to i32
    %sign3A_15 = arith.subi %sign3A_11, %sign3A_14 : i32
    %ne3A = arith.cmpi ne, %sign3A_8, %sign3A_15 : i32
    %rem3A = arith.remsi %add3A, %jit3A : i32
    %ne3A_16 = arith.constant 0 : i32
    %ne3A_17 = arith.cmpi ne, %rem3A, %ne3A_16 : i32
    %and3A = arith.andi %ne3A, %ne3A_17 : i1
    %sub3A = arith.constant 1 : i32
    %sub3A_18 = arith.subi %div3A, %sub3A : i32
    %select_n3A = arith.select %and3A, %sub3A_18, %div3A : i32
    %add3A_19 = arith.constant 2 : i32
    %add3A_20 = arith.addi %add3A_19, %select_n3A : i32
    %jit3A_21 = arith.constant 16 : i32
    %eq3A = arith.constant 0 : i32
    %eq3A_22 = arith.cmpi eq, %jit3A_21, %eq3A : i32
    %jit3A_23 = arith.constant 1 : i32
    %select_n3A_24 = arith.select %eq3A_22, %jit3A_23, %jit3A_21 : i32
    %rem3A_25 = arith.remsi %add3A, %select_n3A_24 : i32
    %ne3A_26 = arith.constant 0 : i32
    %ne3A_27 = arith.cmpi ne, %rem3A_25, %ne3A_26 : i32
    %lt3A = arith.constant 0 : i32
    %lt3A_28 = arith.cmpi slt, %rem3A_25, %lt3A : i32
    %lt3A_29 = arith.constant 0 : i32
    %lt3A_30 = arith.cmpi slt, %select_n3A_24, %lt3A_29 : i32
    %ne3A_31 = arith.xori %lt3A_28, %lt3A_30 : i1
    %and3A_32 = arith.andi %ne3A_31, %ne3A_27 : i1
    %add3A_33 = arith.addi %rem3A_25, %select_n3A_24 : i32
    %select_n3A_34 = arith.select %and3A_32, %add3A_33, %rem3A_25 : i32
    %mul3A_35 = arith.constant 128 : i32
    %mul3A_36 = arith.muli %select_n3A_34, %mul3A_35 : i32
    "tpu.region"() ({
      %run_scoped3A = tpu.sem_alloc : memref<!tpu.dma_semaphore, #tpu.memory_space<semaphore_mem>>
      %dma_start3A_75 = tpu.memref_slice %arg2[%add3A_20, %mul3A_36] : memref<4x2048xi32, #tpu.memory_space<hbm>> -> memref<1x128xi32, #tpu.memory_space<hbm>>
      %dma_start3A_76 = tpu.memref_squeeze %dma_start3A_75 : memref<1x128xi32, #tpu.memory_space<hbm>> -> memref<128xi32, #tpu.memory_space<hbm>>
      %dma_start3A_77 = tpu.memref_slice %arg2[%add3A_20, %mul3A_36] : memref<4x2048xi32, #tpu.memory_space<hbm>> -> memref<1x128xi32, #tpu.memory_space<hbm>>
      %dma_start3A_78 = tpu.memref_squeeze %dma_start3A_77 : memref<1x128xi32, #tpu.memory_space<hbm>> -> memref<128xi32, #tpu.memory_space<hbm>>
      tpu.enqueue_dma source(%dma_start3A_78 : memref<128xi32, #tpu.memory_space<hbm>>) target(%arg5 : memref<128xi32, #tpu.memory_space<vmem>>) target_semaphore(%run_scoped3A : memref<!tpu.dma_semaphore, #tpu.memory_space<semaphore_mem>>)
      %dma_wait3A_79 = tpu.memref_slice %arg2[%add3A_20, %mul3A_36] : memref<4x2048xi32, #tpu.memory_space<hbm>> -> memref<1x128xi32, #tpu.memory_space<hbm>>
      %dma_wait3A_80 = tpu.memref_squeeze %dma_wait3A_79 : memref<1x128xi32, #tpu.memory_space<hbm>> -> memref<128xi32, #tpu.memory_space<hbm>>
      %dma_wait3A_81 = tpu.memref_slice %arg2[%add3A_20, %mul3A_36] : memref<4x2048xi32, #tpu.memory_space<hbm>> -> memref<1x128xi32, #tpu.memory_space<hbm>>
      %dma_wait3A_82 = tpu.memref_squeeze %dma_wait3A_81 : memref<1x128xi32, #tpu.memory_space<hbm>> -> memref<128xi32, #tpu.memory_space<hbm>>
      tpu.wait_dma2 semaphore(%run_scoped3A : memref<!tpu.dma_semaphore, #tpu.memory_space<semaphore_mem>>) src(%dma_wait3A_82 : memref<128xi32, #tpu.memory_space<hbm>>) dst(%arg5 : memref<128xi32, #tpu.memory_space<vmem>>)
      tpu.yield
    }) : () -> ()
    %dma_start3A = arith.constant 0 : i32
    %dma_start3A_37 = tpu.memref_slice %arg5[%dma_start3A] : memref<128xi32, #tpu.memory_space<vmem>> -> memref<64xi32, #tpu.memory_space<vmem>>
    %dma_start3A_38 = arith.constant 0 : i32
    %dma_start3A_39 = arith.constant 0 : i32
    %dma_start3A_40 = tpu.memref_slice %arg3[%dma_start3A_38, %dma_start3A_39] : memref<52000x768xf32, #tpu.memory_space<hbm>> -> memref<52000x768xf32, #tpu.memory_space<hbm>>
    tpu.enqueue_indirect_dma source(%dma_start3A_40 : memref<52000x768xf32, #tpu.memory_space<hbm>>) target(%arg6 : memref<64x768xf32, #tpu.memory_space<vmem>>) offsets(%dma_start3A_37 : memref<64xi32, #tpu.memory_space<vmem>>) semaphore(%arg8 : memref<!tpu.dma_semaphore, #tpu.memory_space<semaphore_mem>>)
    %dma_start3A_41 = arith.constant 64 : i32
    %dma_start3A_42 = tpu.memref_slice %arg5[%dma_start3A_41] : memref<128xi32, #tpu.memory_space<vmem>> -> memref<64xi32, #tpu.memory_space<vmem>>
    %dma_start3A_43 = arith.constant 0 : i32
    %dma_start3A_44 = arith.constant 0 : i32
    %dma_start3A_45 = tpu.memref_slice %arg3[%dma_start3A_43, %dma_start3A_44] : memref<52000x768xf32, #tpu.memory_space<hbm>> -> memref<52000x768xf32, #tpu.memory_space<hbm>>
    tpu.enqueue_indirect_dma source(%dma_start3A_45 : memref<52000x768xf32, #tpu.memory_space<hbm>>) target(%arg7 : memref<64x768xf32, #tpu.memory_space<vmem>>) offsets(%dma_start3A_42 : memref<64xi32, #tpu.memory_space<vmem>>) semaphore(%arg9 : memref<!tpu.dma_semaphore, #tpu.memory_space<semaphore_mem>>)
    %dma_wait3A = arith.constant 0 : i32
    %dma_wait3A_46 = tpu.memref_slice %arg5[%dma_wait3A] : memref<128xi32, #tpu.memory_space<vmem>> -> memref<64xi32, #tpu.memory_space<vmem>>
    %dma_wait3A_47 = arith.constant 0 : i32
    %dma_wait3A_48 = arith.constant 0 : i32
    %dma_wait3A_49 = tpu.memref_slice %arg3[%dma_wait3A_47, %dma_wait3A_48] : memref<52000x768xf32, #tpu.memory_space<hbm>> -> memref<52000x768xf32, #tpu.memory_space<hbm>>
    tpu.wait_indirect_dma semaphore(%arg8 : memref<!tpu.dma_semaphore, #tpu.memory_space<semaphore_mem>>) src(%dma_wait3A_49 : memref<52000x768xf32, #tpu.memory_space<hbm>>) dst(%arg6 : memref<64x768xf32, #tpu.memory_space<vmem>>)
    %add3A_50 = arith.constant 0 : i32
    %add3A_51 = arith.addi %mul3A_2, %add3A_50 : i32
    %dma_start3A_52 = arith.constant 0 : i32
    %dma_start3A_53 = tpu.memref_slice %arg4[%add3A_51, %dma_start3A_52] : memref<4096x768xf32, #tpu.memory_space<hbm>> -> memref<64x768xf32, #tpu.memory_space<hbm>>
    %dma_start3A_54 = arith.constant 0 : i32
    %dma_start3A_55 = tpu.memref_slice %arg4[%add3A_51, %dma_start3A_54] : memref<4096x768xf32, #tpu.memory_space<hbm>> -> memref<64x768xf32, #tpu.memory_space<hbm>>
    tpu.enqueue_dma source(%arg6 : memref<64x768xf32, #tpu.memory_space<vmem>>) target(%dma_start3A_55 : memref<64x768xf32, #tpu.memory_space<hbm>>) target_semaphore(%arg10 : memref<!tpu.dma_semaphore, #tpu.memory_space<semaphore_mem>>)
    %dma_wait3A_56 = arith.constant 64 : i32
    %dma_wait3A_57 = tpu.memref_slice %arg5[%dma_wait3A_56] : memref<128xi32, #tpu.memory_space<vmem>> -> memref<64xi32, #tpu.memory_space<vmem>>
    %dma_wait3A_58 = arith.constant 0 : i32
    %dma_wait3A_59 = arith.constant 0 : i32
    %dma_wait3A_60 = tpu.memref_slice %arg3[%dma_wait3A_58, %dma_wait3A_59] : memref<52000x768xf32, #tpu.memory_space<hbm>> -> memref<52000x768xf32, #tpu.memory_space<hbm>>
    tpu.wait_indirect_dma semaphore(%arg9 : memref<!tpu.dma_semaphore, #tpu.memory_space<semaphore_mem>>) src(%dma_wait3A_60 : memref<52000x768xf32, #tpu.memory_space<hbm>>) dst(%arg7 : memref<64x768xf32, #tpu.memory_space<vmem>>)
    %add3A_61 = arith.constant 64 : i32
    %add3A_62 = arith.addi %mul3A_2, %add3A_61 : i32
    %dma_start3A_63 = arith.constant 0 : i32
    %dma_start3A_64 = tpu.memref_slice %arg4[%add3A_62, %dma_start3A_63] : memref<4096x768xf32, #tpu.memory_space<hbm>> -> memref<64x768xf32, #tpu.memory_space<hbm>>
    %dma_start3A_65 = arith.constant 0 : i32
    %dma_start3A_66 = tpu.memref_slice %arg4[%add3A_62, %dma_start3A_65] : memref<4096x768xf32, #tpu.memory_space<hbm>> -> memref<64x768xf32, #tpu.memory_space<hbm>>
    tpu.enqueue_dma source(%arg7 : memref<64x768xf32, #tpu.memory_space<vmem>>) target(%dma_start3A_66 : memref<64x768xf32, #tpu.memory_space<hbm>>) target_semaphore(%arg11 : memref<!tpu.dma_semaphore, #tpu.memory_space<semaphore_mem>>)
    %dma_wait3A_67 = arith.constant 0 : i32
    %dma_wait3A_68 = tpu.memref_slice %arg4[%add3A_51, %dma_wait3A_67] : memref<4096x768xf32, #tpu.memory_space<hbm>> -> memref<64x768xf32, #tpu.memory_space<hbm>>
    %dma_wait3A_69 = arith.constant 0 : i32
    %dma_wait3A_70 = tpu.memref_slice %arg4[%add3A_51, %dma_wait3A_69] : memref<4096x768xf32, #tpu.memory_space<hbm>> -> memref<64x768xf32, #tpu.memory_space<hbm>>
    tpu.wait_dma2 semaphore(%arg10 : memref<!tpu.dma_semaphore, #tpu.memory_space<semaphore_mem>>) src(%arg6 : memref<64x768xf32, #tpu.memory_space<vmem>>) dst(%dma_wait3A_70 : memref<64x768xf32, #tpu.memory_space<hbm>>)
    %dma_wait3A_71 = arith.constant 0 : i32
    %dma_wait3A_72 = tpu.memref_slice %arg4[%add3A_62, %dma_wait3A_71] : memref<4096x768xf32, #tpu.memory_space<hbm>> -> memref<64x768xf32, #tpu.memory_space<hbm>>
    %dma_wait3A_73 = arith.constant 0 : i32
    %dma_wait3A_74 = tpu.memref_slice %arg4[%add3A_62, %dma_wait3A_73] : memref<4096x768xf32, #tpu.memory_space<hbm>> -> memref<64x768xf32, #tpu.memory_space<hbm>>
    tpu.wait_dma2 semaphore(%arg11 : memref<!tpu.dma_semaphore, #tpu.memory_space<semaphore_mem>>) src(%arg7 : memref<64x768xf32, #tpu.memory_space<vmem>>) dst(%dma_wait3A_74 : memref<64x768xf32, #tpu.memory_space<hbm>>)
    return
  }
}

#map = affine_map<(d0, d1) -> (0, 0)>
module attributes {stable_mosaic.version = 14 : i64} {
  func.func @k(%arg0: i32, %arg1: i32, %arg2: memref<4x2048xi32, #tpu.memory_space<hbm>>, %arg3: memref<52000x768xf32, #tpu.memory_space<hbm>>, %arg4: memref<4096x768xf32, #tpu.memory_space<hbm>>, %arg5: memref<128xi32, #tpu.memory_space<vmem>>, %arg6: memref<64x768xf32, #tpu.memory_space<vmem>>, %arg7: memref<64x768xf32, #tpu.memory_space<vmem>>, %arg8: memref<!tpu.dma_semaphore, #tpu.memory_space<semaphore_mem>>, %arg9: memref<!tpu.dma_semaphore, #tpu.memory_space<semaphore_mem>>, %arg10: memref<!tpu.dma_semaphore, #tpu.memory_space<semaphore_mem>>, %arg11: memref<!tpu.dma_semaphore, #tpu.memory_space<semaphore_mem>>) attributes {dimension_semantics = [#tpu.dimension_semantics<core_parallel>, #tpu.dimension_semantics<subcore_parallel>], iteration_bounds = array<i64: 2, 16>, scalar_prefetch = 0 : i64, scratch_operands = 7 : i64, tpu.core_type = #tpu.core_type<sc_vector_subcore>, window_params = [{transform_indices = #map}, {transform_indices = #map}, {transform_indices = #map}]} {
    %mul3A = arith.constant 2 : i32
    %mul3A_0 = arith.muli %arg1, %mul3A : i32
    %add3A = arith.addi %mul3A_0, %arg0 : i32
    %mul3A_1 = arith.constant 128 : i32
    %mul3A_2 = arith.muli %add3A, %mul3A_1 : i32
    %jit3A = arith.constant 16 : i32
    %div3A = arith.divsi %add3A, %jit3A : i32
    %sign3A = arith.constant 0 : i32
    %sign3A_3 = arith.cmpi sgt, %add3A, %sign3A : i32
    %sign3A_4 = arith.extui %sign3A_3 : i1 to i32
    %sign3A_5 = arith.constant 0 : i32
    %sign3A_6 = arith.cmpi slt, %add3A, %sign3A_5 : i32
    %sign3A_7 = arith.extui %sign3A_6 : i1 to i32
    %sign3A_8 = arith.subi %sign3A_4, %sign3A_7 : i32
    %sign3A_9 = arith.constant 0 : i32
    %sign3A_10 = arith.cmpi sgt, %jit3A, %sign3A_9 : i32
    %sign3A_11 = arith.extui %sign3A_10 : i1 to i32
    %sign3A_12 = arith.constant 0 : i32
    %sign3A_13 = arith.cmpi slt, %jit3A, %sign3A_12 : i32
    %sign3A_14 = arith.extui %sign3A_13 : i1 to i32
    %sign3A_15 = arith.subi %sign3A_11, %sign3A_14 : i32
    %ne3A = arith.cmpi ne, %sign3A_8, %sign3A_15 : i32
    %rem3A = arith.remsi %add3A, %jit3A : i32
    %ne3A_16 = arith.constant 0 : i32
    %ne3A_17 = arith.cmpi ne, %rem3A, %ne3A_16 : i32
    %and3A = arith.andi %ne3A, %ne3A_17 : i1
    %sub3A = arith.constant 1 : i32
    %sub3A_18 = arith.subi %div3A, %sub3A : i32
    %select_n3A = arith.select %and3A, %sub3A_18, %div3A : i32
    %add3A_19 = arith.constant 0 : i32
    %add3A_20 = arith.addi %add3A_19, %select_n3A : i32
    %jit3A_21 = arith.constant 16 : i32
    %eq3A = arith.constant 0 : i32
    %eq3A_22 = arith.cmpi eq, %jit3A_21, %eq3A : i32
    %jit3A_23 = arith.constant 1 : i32
    %select_n3A_24 = arith.select %eq3A_22, %jit3A_23, %jit3A_21 : i32
    %rem3A_25 = arith.remsi %add3A, %select_n3A_24 : i32
    %ne3A_26 = arith.constant 0 : i32
    %ne3A_27 = arith.cmpi ne, %rem3A_25, %ne3A_26 : i32
    %lt3A = arith.constant 0 : i32
    %lt3A_28 = arith.cmpi slt, %rem3A_25, %lt3A : i32
    %lt3A_29 = arith.constant 0 : i32
    %lt3A_30 = arith.cmpi slt, %select_n3A_24, %lt3A_29 : i32
    %ne3A_31 = arith.xori %lt3A_28, %lt3A_30 : i1
    %and3A_32 = arith.andi %ne3A_31, %ne3A_27 : i1
    %add3A_33 = arith.addi %rem3A_25, %select_n3A_24 : i32
    %select_n3A_34 = arith.select %and3A_32, %add3A_33, %rem3A_25 : i32
    %mul3A_35 = arith.constant 128 : i32
    %mul3A_36 = arith.muli %select_n3A_34, %mul3A_35 : i32
    "tpu.region"() ({
      %run_scoped3A = tpu.sem_alloc : memref<!tpu.dma_semaphore, #tpu.memory_space<semaphore_mem>>
      %dma_start3A_75 = tpu.memref_slice %arg2[%add3A_20, %mul3A_36] : memref<4x2048xi32, #tpu.memory_space<hbm>> -> memref<1x128xi32, #tpu.memory_space<hbm>>
      %dma_start3A_76 = tpu.memref_squeeze %dma_start3A_75 : memref<1x128xi32, #tpu.memory_space<hbm>> -> memref<128xi32, #tpu.memory_space<hbm>>
      %dma_start3A_77 = tpu.memref_slice %arg2[%add3A_20, %mul3A_36] : memref<4x2048xi32, #tpu.memory_space<hbm>> -> memref<1x128xi32, #tpu.memory_space<hbm>>
      %dma_start3A_78 = tpu.memref_squeeze %dma_start3A_77 : memref<1x128xi32, #tpu.memory_space<hbm>> -> memref<128xi32, #tpu.memory_space<hbm>>
      tpu.enqueue_dma source(%dma_start3A_78 : memref<128xi32, #tpu.memory_space<hbm>>) target(%arg5 : memref<128xi32, #tpu.memory_space<vmem>>) target_semaphore(%run_scoped3A : memref<!tpu.dma_semaphore, #tpu.memory_space<semaphore_mem>>)
      %dma_wait3A_79 = tpu.memref_slice %arg2[%add3A_20, %mul3A_36] : memref<4x2048xi32, #tpu.memory_space<hbm>> -> memref<1x128xi32, #tpu.memory_space<hbm>>
      %dma_wait3A_80 = tpu.memref_squeeze %dma_wait3A_79 : memref<1x128xi32, #tpu.memory_space<hbm>> -> memref<128xi32, #tpu.memory_space<hbm>>
      %dma_wait3A_81 = tpu.memref_slice %arg2[%add3A_20, %mul3A_36] : memref<4x2048xi32, #tpu.memory_space<hbm>> -> memref<1x128xi32, #tpu.memory_space<hbm>>
      %dma_wait3A_82 = tpu.memref_squeeze %dma_wait3A_81 : memref<1x128xi32, #tpu.memory_space<hbm>> -> memref<128xi32, #tpu.memory_space<hbm>>
      tpu.wait_dma2 semaphore(%run_scoped3A : memref<!tpu.dma_semaphore, #tpu.memory_space<semaphore_mem>>) src(%dma_wait3A_82 : memref<128xi32, #tpu.memory_space<hbm>>) dst(%arg5 : memref<128xi32, #tpu.memory_space<vmem>>)
      tpu.yield
    }) : () -> ()
    %dma_start3A = arith.constant 0 : i32
    %dma_start3A_37 = tpu.memref_slice %arg5[%dma_start3A] : memref<128xi32, #tpu.memory_space<vmem>> -> memref<64xi32, #tpu.memory_space<vmem>>
    %dma_start3A_38 = arith.constant 0 : i32
    %dma_start3A_39 = arith.constant 0 : i32
    %dma_start3A_40 = tpu.memref_slice %arg3[%dma_start3A_38, %dma_start3A_39] : memref<52000x768xf32, #tpu.memory_space<hbm>> -> memref<52000x768xf32, #tpu.memory_space<hbm>>
    tpu.enqueue_indirect_dma source(%dma_start3A_40 : memref<52000x768xf32, #tpu.memory_space<hbm>>) target(%arg6 : memref<64x768xf32, #tpu.memory_space<vmem>>) offsets(%dma_start3A_37 : memref<64xi32, #tpu.memory_space<vmem>>) semaphore(%arg8 : memref<!tpu.dma_semaphore, #tpu.memory_space<semaphore_mem>>)
    %dma_start3A_41 = arith.constant 64 : i32
    %dma_start3A_42 = tpu.memref_slice %arg5[%dma_start3A_41] : memref<128xi32, #tpu.memory_space<vmem>> -> memref<64xi32, #tpu.memory_space<vmem>>
    %dma_start3A_43 = arith.constant 0 : i32
    %dma_start3A_44 = arith.constant 0 : i32
    %dma_start3A_45 = tpu.memref_slice %arg3[%dma_start3A_43, %dma_start3A_44] : memref<52000x768xf32, #tpu.memory_space<hbm>> -> memref<52000x768xf32, #tpu.memory_space<hbm>>
    tpu.enqueue_indirect_dma source(%dma_start3A_45 : memref<52000x768xf32, #tpu.memory_space<hbm>>) target(%arg7 : memref<64x768xf32, #tpu.memory_space<vmem>>) offsets(%dma_start3A_42 : memref<64xi32, #tpu.memory_space<vmem>>) semaphore(%arg9 : memref<!tpu.dma_semaphore, #tpu.memory_space<semaphore_mem>>)
    %dma_wait3A = arith.constant 0 : i32
    %dma_wait3A_46 = tpu.memref_slice %arg5[%dma_wait3A] : memref<128xi32, #tpu.memory_space<vmem>> -> memref<64xi32, #tpu.memory_space<vmem>>
    %dma_wait3A_47 = arith.constant 0 : i32
    %dma_wait3A_48 = arith.constant 0 : i32
    %dma_wait3A_49 = tpu.memref_slice %arg3[%dma_wait3A_47, %dma_wait3A_48] : memref<52000x768xf32, #tpu.memory_space<hbm>> -> memref<52000x768xf32, #tpu.memory_space<hbm>>
    tpu.wait_indirect_dma semaphore(%arg8 : memref<!tpu.dma_semaphore, #tpu.memory_space<semaphore_mem>>) src(%dma_wait3A_49 : memref<52000x768xf32, #tpu.memory_space<hbm>>) dst(%arg6 : memref<64x768xf32, #tpu.memory_space<vmem>>)
    %add3A_50 = arith.constant 0 : i32
    %add3A_51 = arith.addi %mul3A_2, %add3A_50 : i32
    %dma_start3A_52 = arith.constant 0 : i32
    %dma_start3A_53 = tpu.memref_slice %arg4[%add3A_51, %dma_start3A_52] : memref<4096x768xf32, #tpu.memory_space<hbm>> -> memref<64x768xf32, #tpu.memory_space<hbm>>
    %dma_start3A_54 = arith.constant 0 : i32
    %dma_start3A_55 = tpu.memref_slice %arg4[%add3A_51, %dma_start3A_54] : memref<4096x768xf32, #tpu.memory_space<hbm>> -> memref<64x768xf32, #tpu.memory_space<hbm>>
    tpu.enqueue_dma source(%arg6 : memref<64x768xf32, #tpu.memory_space<vmem>>) target(%dma_start3A_55 : memref<64x768xf32, #tpu.memory_space<hbm>>) target_semaphore(%arg10 : memref<!tpu.dma_semaphore, #tpu.memory_space<semaphore_mem>>)
    %dma_wait3A_56 = arith.constant 64 : i32
    %dma_wait3A_57 = tpu.memref_slice %arg5[%dma_wait3A_56] : memref<128xi32, #tpu.memory_space<vmem>> -> memref<64xi32, #tpu.memory_space<vmem>>
    %dma_wait3A_58 = arith.constant 0 : i32
    %dma_wait3A_59 = arith.constant 0 : i32
    %dma_wait3A_60 = tpu.memref_slice %arg3[%dma_wait3A_58, %dma_wait3A_59] : memref<52000x768xf32, #tpu.memory_space<hbm>> -> memref<52000x768xf32, #tpu.memory_space<hbm>>
    tpu.wait_indirect_dma semaphore(%arg9 : memref<!tpu.dma_semaphore, #tpu.memory_space<semaphore_mem>>) src(%dma_wait3A_60 : memref<52000x768xf32, #tpu.memory_space<hbm>>) dst(%arg7 : memref<64x768xf32, #tpu.memory_space<vmem>>)
    %add3A_61 = arith.constant 64 : i32
    %add3A_62 = arith.addi %mul3A_2, %add3A_61 : i32
    %dma_start3A_63 = arith.constant 0 : i32
    %dma_start3A_64 = tpu.memref_slice %arg4[%add3A_62, %dma_start3A_63] : memref<4096x768xf32, #tpu.memory_space<hbm>> -> memref<64x768xf32, #tpu.memory_space<hbm>>
    %dma_start3A_65 = arith.constant 0 : i32
    %dma_start3A_66 = tpu.memref_slice %arg4[%add3A_62, %dma_start3A_65] : memref<4096x768xf32, #tpu.memory_space<hbm>> -> memref<64x768xf32, #tpu.memory_space<hbm>>
    tpu.enqueue_dma source(%arg7 : memref<64x768xf32, #tpu.memory_space<vmem>>) target(%dma_start3A_66 : memref<64x768xf32, #tpu.memory_space<hbm>>) target_semaphore(%arg11 : memref<!tpu.dma_semaphore, #tpu.memory_space<semaphore_mem>>)
    %dma_wait3A_67 = arith.constant 0 : i32
    %dma_wait3A_68 = tpu.memref_slice %arg4[%add3A_51, %dma_wait3A_67] : memref<4096x768xf32, #tpu.memory_space<hbm>> -> memref<64x768xf32, #tpu.memory_space<hbm>>
    %dma_wait3A_69 = arith.constant 0 : i32
    %dma_wait3A_70 = tpu.memref_slice %arg4[%add3A_51, %dma_wait3A_69] : memref<4096x768xf32, #tpu.memory_space<hbm>> -> memref<64x768xf32, #tpu.memory_space<hbm>>
    tpu.wait_dma2 semaphore(%arg10 : memref<!tpu.dma_semaphore, #tpu.memory_space<semaphore_mem>>) src(%arg6 : memref<64x768xf32, #tpu.memory_space<vmem>>) dst(%dma_wait3A_70 : memref<64x768xf32, #tpu.memory_space<hbm>>)
    %dma_wait3A_71 = arith.constant 0 : i32
    %dma_wait3A_72 = tpu.memref_slice %arg4[%add3A_62, %dma_wait3A_71] : memref<4096x768xf32, #tpu.memory_space<hbm>> -> memref<64x768xf32, #tpu.memory_space<hbm>>
    %dma_wait3A_73 = arith.constant 0 : i32
    %dma_wait3A_74 = tpu.memref_slice %arg4[%add3A_62, %dma_wait3A_73] : memref<4096x768xf32, #tpu.memory_space<hbm>> -> memref<64x768xf32, #tpu.memory_space<hbm>>
    tpu.wait_dma2 semaphore(%arg11 : memref<!tpu.dma_semaphore, #tpu.memory_space<semaphore_mem>>) src(%arg7 : memref<64x768xf32, #tpu.memory_space<vmem>>) dst(%dma_wait3A_74 : memref<64x768xf32, #tpu.memory_space<hbm>>)
    return
  }
}

module attributes {stable_mosaic.version = 14 : i64} {
  func.func @_tc_ln_body(%arg0: i32, %arg1: i32, %arg2: memref<1024x768xf32, #tpu.memory_space<vmem>>, %arg3: memref<1024x768xf32, #tpu.memory_space<vmem>>, %arg4: memref<768xf32, #tpu.memory_space<vmem>>, %arg5: memref<768xf32, #tpu.memory_space<vmem>>, %arg6: memref<8192x768xf32, #tpu.memory_space<hbm>>, %arg7: memref<1024x768xf32, #tpu.memory_space<vmem>>) attributes {dimension_semantics = [#tpu.dimension_semantics<arbitrary>, #tpu.dimension_semantics<arbitrary>], iteration_bounds = array<i64: 2, 2>, scalar_prefetch = 0 : i64, scratch_operands = 0 : i64, tpu.core_type = #tpu.core_type<tc>, window_params = [{transform_indices = @transform_0, window_bounds = array<i64: 1024, 768>}, {transform_indices = @transform_1, window_bounds = array<i64: 1024, 768>}, {pipeline_mode = #tpu.pipeline_mode<synchronous>, transform_indices = @transform_2, window_bounds = array<i64: 768>}, {pipeline_mode = #tpu.pipeline_mode<synchronous>, transform_indices = @transform_3, window_bounds = array<i64: 768>}, {}, {transform_indices = @transform_5, window_bounds = array<i64: 1024, 768>}]} {
    %get3A = arith.constant 0 : index
    %get3A_0 = arith.constant 0 : index
    %get3A_1 = vector.load %arg2[%get3A, %get3A_0] : memref<1024x768xf32, #tpu.memory_space<vmem>>, vector<1024x768xf32>
    %get3A_2 = arith.constant 0 : index
    %get3A_3 = arith.constant 0 : index
    %get3A_4 = vector.load %arg3[%get3A_2, %get3A_3] : memref<1024x768xf32, #tpu.memory_space<vmem>>, vector<1024x768xf32>
    %add3A = arith.addf %get3A_1, %get3A_4 : vector<1024x768xf32>
    %reduce_sum3A = arith.constant dense<0.000000e+00> : vector<1024xf32>
    %reduce_sum3A_5 = vector.multi_reduction <add>, %add3A, %reduce_sum3A [1] : vector<1024x768xf32> to vector<1024xf32>
    %broadcast_in_dim3A = vector.shape_cast %reduce_sum3A_5 : vector<1024xf32> to vector<1024x1xf32>
    %div3A = arith.constant 7.680000e+02 : f32
    %div3A_6 = vector.broadcast %div3A : f32 to vector<1024x1xf32>
    %div3A_7 = arith.divf %broadcast_in_dim3A, %div3A_6 : vector<1024x1xf32>
    %sub3A = vector.broadcast %div3A_7 : vector<1024x1xf32> to vector<1024x768xf32>
    %sub3A_8 = arith.subf %add3A, %sub3A : vector<1024x768xf32>
    %mul3A = arith.mulf %sub3A_8, %sub3A_8 : vector<1024x768xf32>
    %reduce_sum3A_9 = arith.constant dense<0.000000e+00> : vector<1024xf32>
    %reduce_sum3A_10 = vector.multi_reduction <add>, %mul3A, %reduce_sum3A_9 [1] : vector<1024x768xf32> to vector<1024xf32>
    %broadcast_in_dim3A_11 = vector.shape_cast %reduce_sum3A_10 : vector<1024xf32> to vector<1024x1xf32>
    %div3A_12 = arith.constant 7.680000e+02 : f32
    %div3A_13 = vector.broadcast %div3A_12 : f32 to vector<1024x1xf32>
    %div3A_14 = arith.divf %broadcast_in_dim3A_11, %div3A_13 : vector<1024x1xf32>
    %add3A_15 = arith.constant 9.99999996E-13 : f32
    %add3A_16 = vector.broadcast %add3A_15 : f32 to vector<1024x1xf32>
    %add3A_17 = arith.addf %div3A_14, %add3A_16 : vector<1024x1xf32>
    %rsqrt3A = math.rsqrt %add3A_17 : vector<1024x1xf32>
    %mul3A_18 = vector.broadcast %rsqrt3A : vector<1024x1xf32> to vector<1024x768xf32>
    %mul3A_19 = arith.mulf %sub3A_8, %mul3A_18 : vector<1024x768xf32>
    %get3A_20 = arith.constant 0 : index
    %get3A_21 = vector.load %arg4[%get3A_20] : memref<768xf32, #tpu.memory_space<vmem>>, vector<768xf32>
    %broadcast_in_dim3A_22 = vector.shape_cast %get3A_21 : vector<768xf32> to vector<1x768xf32>
    %mul3A_23 = vector.broadcast %broadcast_in_dim3A_22 : vector<1x768xf32> to vector<1024x768xf32>
    %mul3A_24 = arith.mulf %mul3A_19, %mul3A_23 : vector<1024x768xf32>
    %get3A_25 = arith.constant 0 : index
    %get3A_26 = vector.load %arg5[%get3A_25] : memref<768xf32, #tpu.memory_space<vmem>>, vector<768xf32>
    %broadcast_in_dim3A_27 = vector.shape_cast %get3A_26 : vector<768xf32> to vector<1x768xf32>
    %add3A_28 = vector.broadcast %broadcast_in_dim3A_27 : vector<1x768xf32> to vector<1024x768xf32>
    %add3A_29 = arith.addf %mul3A_24, %add3A_28 : vector<1024x768xf32>
    %swap3A = arith.constant 0 : index
    %swap3A_30 = arith.constant 0 : index
    %swap3A_31 = vector.load %arg7[%swap3A, %swap3A_30] : memref<1024x768xf32, #tpu.memory_space<vmem>>, vector<1024x768xf32>
    tpu.vector_store %arg7[%swap3A, %swap3A_30], %add3A_29 {strides = array<i32>} : memref<1024x768xf32, #tpu.memory_space<vmem>>, vector<1024x768xf32>,
    return
  }
  func.func @transform_0(%arg0: i32, %arg1: i32) -> (i32, i32) {
    %mul3A = arith.constant 2 : i32
    %mul3A_0 = arith.muli %arg1, %mul3A : i32
    %add3A = arith.addi %mul3A_0, %arg0 : i32
    %c0_i32 = arith.constant 0 : i32
    %c0_i32_1 = arith.constant 0 : i32
    return %add3A, %c0_i32 : i32, i32
  }
  func.func @transform_1(%arg0: i32, %arg1: i32) -> (i32, i32) {
    %c0_i32 = arith.constant 0 : i32
    %c0_i32_0 = arith.constant 0 : i32
    return %arg0, %c0_i32 : i32, i32
  }
  func.func @transform_2(%arg0: i32, %arg1: i32) -> i32 {
    %c0_i32 = arith.constant 0 : i32
    %c0_i32_0 = arith.constant 0 : i32
    return %c0_i32 : i32
  }
  func.func @transform_3(%arg0: i32, %arg1: i32) -> i32 {
    %c0_i32 = arith.constant 0 : i32
    %c0_i32_0 = arith.constant 0 : i32
    return %c0_i32 : i32
  }
  func.func @transform_5(%arg0: i32, %arg1: i32) -> (i32, i32) {
    %add3A = arith.constant 2 : i32
    %add3A_0 = arith.addi %add3A, %arg1 : i32
    %mul3A = arith.constant 2 : i32
    %mul3A_1 = arith.muli %add3A_0, %mul3A : i32
    %add3A_2 = arith.addi %mul3A_1, %arg0 : i32
    %c0_i32 = arith.constant 0 : i32
    %c0_i32_3 = arith.constant 0 : i32
    return %add3A_2, %c0_i32 : i32, i32
  }
}

module attributes {stable_mosaic.version = 14 : i64} {
  func.func @_tc_ln_body(%arg0: i32, %arg1: i32, %arg2: memref<1024x768xf32, #tpu.memory_space<vmem>>, %arg3: memref<1024x768xf32, #tpu.memory_space<vmem>>, %arg4: memref<768xf32, #tpu.memory_space<vmem>>, %arg5: memref<768xf32, #tpu.memory_space<vmem>>, %arg6: memref<1024x768xf32, #tpu.memory_space<vmem>>) attributes {dimension_semantics = [#tpu.dimension_semantics<arbitrary>, #tpu.dimension_semantics<arbitrary>], iteration_bounds = array<i64: 2, 2>, scalar_prefetch = 0 : i64, scratch_operands = 0 : i64, tpu.core_type = #tpu.core_type<tc>, window_params = [{transform_indices = @transform_0, window_bounds = array<i64: 1024, 768>}, {transform_indices = @transform_1, window_bounds = array<i64: 1024, 768>}, {pipeline_mode = #tpu.pipeline_mode<synchronous>, transform_indices = @transform_2, window_bounds = array<i64: 768>}, {pipeline_mode = #tpu.pipeline_mode<synchronous>, transform_indices = @transform_3, window_bounds = array<i64: 768>}, {transform_indices = @transform_4, window_bounds = array<i64: 1024, 768>}]} {
    %get3A = arith.constant 0 : index
    %get3A_0 = arith.constant 0 : index
    %get3A_1 = vector.load %arg2[%get3A, %get3A_0] : memref<1024x768xf32, #tpu.memory_space<vmem>>, vector<1024x768xf32>
    %get3A_2 = arith.constant 0 : index
    %get3A_3 = arith.constant 0 : index
    %get3A_4 = vector.load %arg3[%get3A_2, %get3A_3] : memref<1024x768xf32, #tpu.memory_space<vmem>>, vector<1024x768xf32>
    %add3A = arith.addf %get3A_1, %get3A_4 : vector<1024x768xf32>
    %reduce_sum3A = arith.constant dense<0.000000e+00> : vector<1024xf32>
    %reduce_sum3A_5 = vector.multi_reduction <add>, %add3A, %reduce_sum3A [1] : vector<1024x768xf32> to vector<1024xf32>
    %broadcast_in_dim3A = vector.shape_cast %reduce_sum3A_5 : vector<1024xf32> to vector<1024x1xf32>
    %div3A = arith.constant 7.680000e+02 : f32
    %div3A_6 = vector.broadcast %div3A : f32 to vector<1024x1xf32>
    %div3A_7 = arith.divf %broadcast_in_dim3A, %div3A_6 : vector<1024x1xf32>
    %sub3A = vector.broadcast %div3A_7 : vector<1024x1xf32> to vector<1024x768xf32>
    %sub3A_8 = arith.subf %add3A, %sub3A : vector<1024x768xf32>
    %mul3A = arith.mulf %sub3A_8, %sub3A_8 : vector<1024x768xf32>
    %reduce_sum3A_9 = arith.constant dense<0.000000e+00> : vector<1024xf32>
    %reduce_sum3A_10 = vector.multi_reduction <add>, %mul3A, %reduce_sum3A_9 [1] : vector<1024x768xf32> to vector<1024xf32>
    %broadcast_in_dim3A_11 = vector.shape_cast %reduce_sum3A_10 : vector<1024xf32> to vector<1024x1xf32>
    %div3A_12 = arith.constant 7.680000e+02 : f32
    %div3A_13 = vector.broadcast %div3A_12 : f32 to vector<1024x1xf32>
    %div3A_14 = arith.divf %broadcast_in_dim3A_11, %div3A_13 : vector<1024x1xf32>
    %add3A_15 = arith.constant 9.99999996E-13 : f32
    %add3A_16 = vector.broadcast %add3A_15 : f32 to vector<1024x1xf32>
    %add3A_17 = arith.addf %div3A_14, %add3A_16 : vector<1024x1xf32>
    %rsqrt3A = math.rsqrt %add3A_17 : vector<1024x1xf32>
    %mul3A_18 = vector.broadcast %rsqrt3A : vector<1024x1xf32> to vector<1024x768xf32>
    %mul3A_19 = arith.mulf %sub3A_8, %mul3A_18 : vector<1024x768xf32>
    %get3A_20 = arith.constant 0 : index
    %get3A_21 = vector.load %arg4[%get3A_20] : memref<768xf32, #tpu.memory_space<vmem>>, vector<768xf32>
    %broadcast_in_dim3A_22 = vector.shape_cast %get3A_21 : vector<768xf32> to vector<1x768xf32>
    %mul3A_23 = vector.broadcast %broadcast_in_dim3A_22 : vector<1x768xf32> to vector<1024x768xf32>
    %mul3A_24 = arith.mulf %mul3A_19, %mul3A_23 : vector<1024x768xf32>
    %get3A_25 = arith.constant 0 : index
    %get3A_26 = vector.load %arg5[%get3A_25] : memref<768xf32, #tpu.memory_space<vmem>>, vector<768xf32>
    %broadcast_in_dim3A_27 = vector.shape_cast %get3A_26 : vector<768xf32> to vector<1x768xf32>
    %add3A_28 = vector.broadcast %broadcast_in_dim3A_27 : vector<1x768xf32> to vector<1024x768xf32>
    %add3A_29 = arith.addf %mul3A_24, %add3A_28 : vector<1024x768xf32>
    %swap3A = arith.constant 0 : index
    %swap3A_30 = arith.constant 0 : index
    %swap3A_31 = vector.load %arg6[%swap3A, %swap3A_30] : memref<1024x768xf32, #tpu.memory_space<vmem>>, vector<1024x768xf32>
    tpu.vector_store %arg6[%swap3A, %swap3A_30], %add3A_29 {strides = array<i32>} : memref<1024x768xf32, #tpu.memory_space<vmem>>, vector<1024x768xf32>,
    return
  }
  func.func @transform_0(%arg0: i32, %arg1: i32) -> (i32, i32) {
    %mul3A = arith.constant 2 : i32
    %mul3A_0 = arith.muli %arg1, %mul3A : i32
    %add3A = arith.addi %mul3A_0, %arg0 : i32
    %c0_i32 = arith.constant 0 : i32
    %c0_i32_1 = arith.constant 0 : i32
    return %add3A, %c0_i32 : i32, i32
  }
  func.func @transform_1(%arg0: i32, %arg1: i32) -> (i32, i32) {
    %c0_i32 = arith.constant 0 : i32
    %c0_i32_0 = arith.constant 0 : i32
    return %arg0, %c0_i32 : i32, i32
  }
  func.func @transform_2(%arg0: i32, %arg1: i32) -> i32 {
    %c0_i32 = arith.constant 0 : i32
    %c0_i32_0 = arith.constant 0 : i32
    return %c0_i32 : i32
  }
  func.func @transform_3(%arg0: i32, %arg1: i32) -> i32 {
    %c0_i32 = arith.constant 0 : i32
    %c0_i32_0 = arith.constant 0 : i32
    return %c0_i32 : i32
  }
  func.func @transform_4(%arg0: i32, %arg1: i32) -> (i32, i32) {
    %add3A = arith.constant 0 : i32
    %add3A_0 = arith.addi %add3A, %arg1 : i32
    %mul3A = arith.constant 2 : i32
    %mul3A_1 = arith.muli %add3A_0, %mul3A : i32
    %add3A_2 = arith.addi %mul3A_1, %arg0 : i32
    %c0_i32 = arith.constant 0 : i32
    %c0_i32_3 = arith.constant 0 : i32
    return %add3A_2, %c0_i32 : i32, i32
  }
}

</mosaic_0001>

<sc_bundles>
// kernel: kernel.6.cloned.1.call-start
scs
__scs_entry_jumppad:
0x0: {  	(pc) =	sbr.rel $0x88, $3  }
0x1: {  	(tag) =	ssettag $0x0;
	lr =	simm.s32 $0x1  }
0x2: {  	[smem:$0x3F9C] =	sst lr;
	_ =	strace $0xD0000000  }
0x3: {  	_ = 	snop  }
0x4: {  	_ = 	snop  }
0x5: {  	_ = 	snop  }
0x6: {  	_ = 	snop  }
0x7: {  	_ = 	snop  }
__scs_overlays_trampoline_lowered:
0x8: {  	[smem:$0x3FAB] =	sst s0  }
0x9: {  	[smem:$0x3FAC] =	sst s1  }
0xa: {  	[smem:$0x3FAD] =	sst s2  }
0xb: {  	[smem:$0x3FAE] =	sst s3  }
0xc: {  	[smem:$0x3FAF] =	sst s4  }
0xd: {  	[smem:$0x3FB0] =	sst s5  }
0xe: {  	[smem:$0x3FB1] =	sst s6  }
0xf: {  	[smem:$0x3FB2] =	sst s7  }
0x10: {  	[smem:$0x3FB3] =	sst s8  }
0x11: {  	[smem:$0x3FB4] =	sst s9;
	s0 =	simm.s32 @!p0 $0x0  }
0x12: {  	s1 =	sld [smem:$0x3F9A];
	s0 =	simm.s32 @p0 $0x1  }
0x13: {  	[smem:$0x3FB5] =	sst s0;
	s0 =	simm.s32 @!p1 $0x0  }
0x14: {  	s2 =	sld [smem:$0x3F99];
	s0 =	simm.s32 @p1 $0x1  }
0x15: {  	[smem:$0x3FB6] =	sst s0;
	s0 =	simm.s32 @!p2 $0x0  }
0x16: {  	s3 =	sld [smem:$0x3FDB];
	s0 =	simm.s32 @p2 $0x1  }
0x17: {  	s4 =	simm.s32 $0x1BF5;
	[smem:$0x3FB8] =	sst s0  }
0x18: {  	s0 =	sld [smem:$0x3F9B];
	_ =	swait.ge [sflag:s4], $0x0  }
0x19: {  	s7 =	sld [smem:$0x3F9C]  }
0x1a: {  	s8 =	sadd.s32 $0xFFFFE003, lr  }
0x1b: {  	s9 =	sadd.s32 $0xFFFFFEF7, lr;
	s5 =	simm.s32 $0xFFFFFFFF;
	p2 =	slt.u32 s8, $0xFFFFF086  }
0x1c: {  	p1 =	slt.u32 s9, $0xF7A;
	s5 =	simm.s32 @!p2 $0x0  }
0x1d: {  	s5 =	simm.s32 @p1 $0x1;
	p0 =	seq.s32 s7, s2  }
0x1e: {  	s7 =	smul.u32 @!p0 $0xF7A, s2;
	p2 =	seq.s32 @!p0 s5, $0x0  }
0x1f: {  	s9 =	smul.u32 $0xF7A, s1;
	s8 =	simm.s32 @!p0 $0x1BF5;
	p2 =	por !p2, p0  }
0x20: {  	[sflag:s8] =	ssyncset.s32 @!p0 $0xFFFFF086;
	s6 =	sadd.s32 @!p0 s3, s7;
	s7 =	simm.s32 @!p0 $0x108  }
0x21: {  	s3 =	sadd.s32 s3, s9;
	s6 =	sadd.s32 @!p0 $0x88, s6;
	s7 =	simm.s32 @p2 $0x1082  }
0x22: {  	[simem:s7], [sflag:s8] =	dma.local @!p0 [hbm:s6], $0xF7A  }
0x23: {  	s9 =	sor.u32 $0xD0000000, s2;
	s6 =	simm.s32 $0x108;
	_ =	swait.ge @!p0 [sflag:s8], $0x0  }
0x24: {  	s3 =	sadd.s32 $0x88, s3;
	s6 =	simm.s32 @!p1 $0x1082;
	[sflag:s4] =	ssyncset.s32 $0xFFFFF086  }
0x25: {  	[simem:s6], [sflag:s4] =	dma.local [hbm:s3], $0xF7A  }
0x26: {  	[smem:$0x3F9C] =	sst s1;
	(tag) =	ssettag s2;
	_ =	strace s9  }
0x27: {  	s1 =	sld [smem:$0x3FAC]  }
0x28: {  	s2 =	sld [smem:$0x3FAD]  }
0x29: {  	s4 =	sld [smem:$0x3FAF]  }
0x2a: {  	p0 =	seq.s32 s5, $0x0;
	s5 =	sld [smem:$0x3FB0]  }
0x2b: {  	s6 =	sld [smem:$0x3FB1]  }
0x2c: {  	s7 =	sld [smem:$0x3FB2]  }
0x2d: {  	s3 =	simm.s32 $0x108;
	s8 =	sld [smem:$0x3FB3]  }
0x2e: {  	s3 =	simm.s32 @!p0 $0x1082;
	s9 =	sld [smem:$0x3FB4]  }
0x2f: {  	lr =	sadd.s32 s0, s3;
	s0 =	sld [smem:$0x3FAB]  }
0x30: {  	s3 =	sld [smem:$0x3FAE]  }
0x31: {  	[smem:$0x3FB7] =	sst s10  }
0x32: {  	s10 =	sld [smem:$0x3FB5];
	_ =	sdelay $0x3  }
0x33: {  	p0 =	seq.s32 s10, $0x1;
	s10 =	sld [smem:$0x3FB7];
	_ =	sdelay $0x3  }
0x34: {  	[smem:$0x3FB7] =	sst s10  }
0x35: {  	s10 =	sld [smem:$0x3FB6];
	_ =	sdelay $0x3  }
0x36: {  	p1 =	seq.s32 s10, $0x1;
	s10 =	sld [smem:$0x3FB7];
	_ =	sdelay $0x3  }
0x37: {  	[smem:$0x3FB7] =	sst s10  }
0x38: {  	s10 =	sld [smem:$0x3FB8]  }
0x39: {  	_ = 	snop;
	(pc) =	sbr.ind lr, $3  }
0x3a: {  	_ = 	snop  }
0x3b: {  	_ = 	snop  }
0x3c: {  	p2 =	seq.s32 s10, $0x1;
	s10 =	sld [smem:$0x3FB7]  }
0x3d: {  	_ =	shalt  }
0x3e: {  	_ =	shalt  }
0x3f: {  	_ =	shalt  }
0x40: {  	_ =	shalt  }
0x41: {  	_ =	shalt  }
0x42: {  	_ =	shalt  }
0x43: {  	_ =	shalt  }
0x44: {  	_ =	shalt  }
0x45: {  	_ =	shalt  }
0x46: {  	_ =	shalt  }
0x47: {  	_ =	shalt  }
0x48: {  	_ =	shalt  }
0x49: {  	_ =	shalt  }
0x4a: {  	_ =	shalt  }
0x4b: {  	_ =	shalt  }
0x4c: {  	_ =	shalt  }
0x4d: {  	_ =	shalt  }
0x4e: {  	_ =	shalt  }
0x4f: {  	_ =	shalt  }
0x50: {  	_ =	shalt  }
0x51: {  	_ =	shalt  }
0x52: {  	_ =	shalt  }
0x53: {  	_ =	shalt  }
0x54: {  	_ =	shalt  }
0x55: {  	_ =	shalt  }
0x56: {  	_ =	shalt  }
0x57: {  	_ =	shalt  }
0x58: {  	_ =	shalt  }
0x59: {  	_ =	shalt  }
0x5a: {  	_ =	shalt  }
0x5b: {  	_ =	shalt  }
0x5c: {  	_ =	shalt  }
0x5d: {  	_ =	shalt  }
0x5e: {  	_ =	shalt  }
0x5f: {  	_ =	shalt  }
0x60: {  	_ =	shalt  }
0x61: {  	_ =	shalt  }
0x62: {  	_ =	shalt  }
0x63: {  	_ =	shalt  }
0x64: {  	_ =	shalt  }
0x65: {  	_ =	shalt  }
0x66: {  	_ =	shalt  }
0x67: {  	_ =	shalt  }
0x68: {  	_ =	shalt  }
0x69: {  	_ =	shalt  }
0x6a: {  	_ =	shalt  }
0x6b: {  	_ =	shalt  }
0x6c: {  	_ =	shalt  }
0x6d: {  	_ =	shalt  }
0x6e: {  	_ =	shalt  }
0x6f: {  	_ =	shalt  }
0x70: {  	_ =	shalt  }
0x71: {  	_ =	shalt  }
0x72: {  	_ =	shalt  }
0x73: {  	_ =	shalt  }
0x74: {  	_ =	shalt  }
0x75: {  	_ =	shalt  }
0x76: {  	_ =	shalt  }
0x77: {  	_ =	shalt  }
0x78: {  	_ =	shalt  }
0x79: {  	_ =	shalt  }
0x7a: {  	_ =	shalt  }
0x7b: {  	_ =	shalt  }
0x7c: {  	_ =	shalt  }
0x7d: {  	_ =	shalt  }
0x7e: {  	_ =	shalt  }
0x7f: {  	_ =	shalt  }
0x80: {  	_ =	shalt  }
0x81: {  	_ =	shalt  }
0x82: {  	_ =	shalt  }
0x83: {  	_ =	shalt  }
0x84: {  	_ =	shalt  }
0x85: {  	_ =	shalt  }
0x86: {  	_ =	shalt  }
0x87: {  	_ =	shalt  }
.Lfunc_end0:
.L_simem_size_0:
called_computation_lowered:
.L_overlay_start_0:
0x88: {  	s2 =	sld [smem:$0x3FD9]  }
0x89: {  	s3 =	sld [smem:$0x3FFE];
	_ =	sdelay $0x1  }
0x8a: {  	s1 =	srdreg.scid  }
0x8b: {  	s0 =	sand.u32 $0x1, s1  }
0x8c: {  	s18 =	sshll.u32 s0, $0xA;
	s2 =	sadd.s32 s3, s2  }
0x8d: {  	s2 =	sadd.s32 s2, s18  }
0x8e: {  	[smem:$0x3FC3] =	sst s2  }
0x8f: {  	_ = 	snop  }
0x90: {  	s2 =	sld [smem:$0x3FC9]  }
0x91: {  	s19 =	sld [smem:$0x3FC8]  }
0x92: {  	s4 =	sld [smem:$0x3FD0];
	(tm) =	ssettm $0x1  }
0x93: {  	s5 =	sld [smem:$0x3FFB];
	_ =	sdelay $0x3  }
0x94: {  	_ =	strace s5  }
0x95: {  	s5 =	sld [smem:$0x3FFC];
	_ =	sdelay $0x3  }
0x96: {  	_ =	strace s5  }
0x97: {  	s5 =	sld [smem:$0x3FFD];
	_ =	sdelay $0x3  }
0x98: {  	_ =	strace s5  }
0x99: {  	_ =	strace $0x8FFFFFFF  }
0x9a: {  	s20 =	sld [smem:$0x3FDB];
	_ =	sdelay $0x1  }
0x9b: {  	s6 =	simm.s32 $_scs_section_size  }
0x9c: {  	s7 =	simm.s32 $_size__tile_overlayer_lowered;
	s8 =	simm.s32 $_tile_overlayer_lowered  }
0x9d: {  	s23 =	simm.s32 $0x1BFF;
	s22 =	sshll.u32 s8, $0x1;
	s5 =	sadd.s32 s6, s20  }
0x9e: {  	s9 =	simm.s32 $0x0;
	s21 =	sshll.u32 s7, $0x1;
	s7 =	sadd.s32 s22, s5  }
0x9f: {  	[timem:s9], [sflag:s23] =	dma.local [hbm:s7], s21  }
0xa0: {  	_ =	swait.ge [sflag:s23], s21  }
0xa1: {  	s6 =	ssub.s32 $0x0, s21;
	[sflag:s23] =	ssyncset.done $0x0  }
0xa2: {  	[sflag:s23] =	ssyncadd.s32 s6;
	_ =	sdelay $0x1  }
0xa3: {  	s24 =	simm.s32 $0x1B8B  }
0xa4: {  	_ =	swait.ge [sflag:s24], $0x1  }
0xa5: {  	[sflag:s24] =	ssyncset.done $0x0  }
0xa6: {  	s25 =	simm.s32 $0x1B8E;
	[sflag:s24] =	ssyncadd.s32 $0xFFFFFFFF  }
0xa7: {  	s26 =	simm.s32 $execute0_lowered;
	[smem:$0x3FD2] =	sst s25  }
0xa8: {  	s6 =	sshll.u32 s26, $0x1;
	_ =	strace $0x80000046;
	[dreg:$0x1] =	wrdreg $0xFFFFFFFF  }
0xa9: {  	s28 =	simm.s32 $_size_execute0_lowered;
	s5 =	sadd.s32 s5, s6;
	[dreg:$0x0] =	wrdreg $0x0  }
0xaa: {  	s6 =	sshll.u32 s28, $0x1;
	[dreg:$0x2] =	wrdreg s5  }
0xab: {  	[dreg:$0x3] =	wrdreg s6  }
0xac: {  	[dreg:$0x4] =	wrdreg $0xC0  }
0xad: {  	_ =	task [dreg:s9], $0x5FFFF  }
0xae: {  	[dreg:$0x1] =	wrdreg $0xFFFFFFFF  }
0xaf: {  	[dreg:$0x0] =	wrdreg $0x60  }
0xb0: {  	[dreg:$0x2] =	wrdreg s2  }
0xb1: {  	[dreg:$0x3] =	wrdreg s19  }
0xb2: {  	[dreg:$0x4] =	wrdreg s4  }
0xb3: {  	[dreg:$0x5] =	wrdreg $0x9  }
0xb4: {  	_ =	task.clear_ibuf [dreg:s9], $0x6FFFF;
	_ =	strace $0x90000046  }
0xb5: {  	s29 =	simm.s32 $0x9;
	_ =	strace $0x80000048  }
0xb6: {  	_ =	swait.ge [sflag:s29], $0x1  }
0xb7: {  	[sflag:s29] =	ssyncadd.s32 $0xFFFFFFFF  }
0xb8: {  	_ =	strace $0x90000048  }
0xb9: {  	_ =	sfence  }
0xba: {  	s30 =	sld [smem:$0x0];
	_ =	sdelay $0x2  }
0xbb: {  	s31 =	sshll.u32 s1, $0xD;
	s1 =	sshrl.u32 s1, $0x2  }
0xbc: {  	s3 =	sand.u32 $0x4000, s31;
	s1 =	sadd.s32 s1, s30  }
0xbd: {  	s0 =	sor.u32 s3, s0;
	s1 =	sshll.u32 s1, $0x11  }
0xbe: {  	s0 =	sor.u32 s1, s0  }
0xbf: {  	s0 =	sadd.s32 $0x8F2B, s0  }
0xc0: {  	[sflag:s0] =	ssyncadd.remote.s32 $0x1  }
0xc1: {  	_ =	sfence.sel $0xFFFF  }
0xc2: {  	[dreg:$0x0] =	wrdreg $0xFFFFFFFF;
	(pc) =	sbr.abs _section_cstart, $3  }
0xc3: {  	[dreg:$0x1] =	wrdreg $0xFFFFFFFF  }
0xc4: {  	_ =	task.clear_ibuf [dreg:s9], $0x2FFFF;
	_ =	strace $0x9FFFFFFF  }
0xc5: {  	(tm) =	ssettm $0x7FFFFFFF  }
tec
execute0_lowered:
.L_overlay_start_1:
0x0: {  	(tag) =	ssettag $0x1  }
0x1: {  	s0 =	rddreg [dreg:$0x0]  }
0x2: {  	s2 =	rddreg [dreg:$0x1]  }
0x3: {  	s4 =	rddreg [dreg:$0x2];
	s3 =	simm.s32 $0x0  }
0x4: {  	s20 =	simm.s32 $0x880;
	[smem:$0x7FF] =	sst s3  }
0x5: {  	s21 =	simm.s32 $0x1080;
	_ =	strace $0x80000047;
	[dreg:$0x7] =	wrdreg s20  }
0x6: {  	s22 =	simm.s32 $0x1880;
	[dreg:$0x8] =	wrdreg s21  }
0x7: {  	s23 =	simm.s32 $0x2080;
	[dreg:$0x9] =	wrdreg s22  }
0x8: {  	s24 =	simm.s32 $0x2880;
	[dreg:$0xa] =	wrdreg s23  }
0x9: {  	s5 =	srdreg.scid;
	s25 =	simm.s32 $0x3080;
	[dreg:$0xb] =	wrdreg s24  }
0xa: {  	s1 =	stileid.u32;
	s26 =	simm.s32 $0x3880;
	[dreg:$0xc] =	wrdreg s25  }
0xb: {  	s6 =	sshll.u32 s1, $0x1;
	s1 =	simm.s32 $0x4080;
	[dreg:$0xd] =	wrdreg s26  }
0xc: {  	s10 =	simm.s32 $0x7080;
	s11 =	simm.s32 $0x7880;
	[dreg:$0xe] =	wrdreg s1  }
0xd: {  	s12 =	simm.s32 $0x8080;
	s13 =	simm.s32 $0x8880;
	[dreg:$0x14] =	wrdreg s10  }
0xe: {  	s14 =	simm.s32 $0x9080;
	s15 =	simm.s32 $0x9880;
	[dreg:$0x15] =	wrdreg s11  }
0xf: {  	s28 =	simm.s32 $0x17880;
	s29 =	simm.s32 $0x1;
	[dreg:$0x16] =	wrdreg s12  }
0x10: {  	s30 =	simm.s32 $0x2;
	s5 =	sand.u32 $0x1, s5;
	[dreg:$0x17] =	wrdreg s13  }
0x11: {  	s31 =	simm.s32 $0x3;
	s7 =	sor.u32 s5, s6;
	[dreg:$0x18] =	wrdreg s14  }
0x12: {  	s6 =	sand.u32 $0x10, s6;
	[dreg:$0x19] =	wrdreg s15;
	s21 =	simm.s32 $0xB880  }
0x13: {  	s22 =	simm.s32 $0xC880;
	s23 =	simm.s32 $0xD080;
	s24 =	simm.s32 $0xD880  }
0x14: {  	s25 =	simm.s32 $0xE080;
	s26 =	simm.s32 $0xE880;
	s11 =	simm.s32 $0xF880  }
0x15: {  	s12 =	simm.s32 $0x10080;
	s13 =	simm.s32 $0x10880;
	[dreg:$0x1d] =	wrdreg s21  }
0x16: {  	s14 =	simm.s32 $0x11080;
	s15 =	simm.s32 $0x11880;
	[dreg:$0x1e] =	wrdreg s22  }
0x17: {  	s8 =	sshll.u32 s7, $0x6;
	s9 =	smul.u32 $0x18000, s7;
	[dreg:$0x1f] =	wrdreg s23  }
0x18: {  	s0 =	sadd.s32 s0, s6;
	s16 =	smul.u32 $0x3000, s7;
	[smem:$0x7FB] =	sst s24  }
0x19: {  	s6 =	simm.s32 $0x5080;
	s7 =	simm.s32 $0x5880;
	[smem:$0x7FC] =	sst s25  }
0x1a: {  	[smem:$0x7FD] =	sst s26;
	s21 =	simm.s32 $0x14880;
	s22 =	simm.s32 $0x15080  }
0x1b: {  	s23 =	simm.s32 $0x15880;
	s8 =	sand.u32 $0x3C0, s8;
	[dreg:$0x10] =	wrdreg s6  }
0x1c: {  	s24 =	simm.s32 $0x16080;
	[dreg:$0x11] =	wrdreg s7;
	s0 =	sadd.s32 s8, s0  }
0x1d: {  	s25 =	simm.s32 $0x16880;
	s18 =	sadd.s32 s4, s16;
	[dreg:$0x4] =	wrdreg s0  }
0x1e: {  	s26 =	simm.s32 $0x17080;
	s8 =	simm.s32 $0x6080;
	[dreg:$0x5] =	wrdreg s18  }
0x1f: {  	s17 =	sshrl.u32 s9, $0x3;
	s9 =	simm.s32 $0x6880;
	[dreg:$0x12] =	wrdreg s8  }
0x20: {  	s7 =	simm.s32 $0x5;
	s16 =	simm.s32 $0xA080;
	[dreg:$0x13] =	wrdreg s9  }
0x21: {  	s4 =	sadd.s32 s4, s17;
	s17 =	ssub.s32 $0x2, s5;
	[dreg:$0x1a] =	wrdreg s16  }
0x22: {  	s18 =	simm.s32 $0xA880;
	s8 =	simm.s32 $0x80;
	s9 =	simm.s32 $0xC080  }
0x23: {  	s16 =	simm.s32 $0x12080;
	s19 =	sadd.s32 $0x1800, s4;
	[dreg:$0x1b] =	wrdreg s18  }
0x24: {  	s0 =	simm.s32 $0x4;
	s4 =	simm.s32 $0x4880;
	[dreg:$0x6] =	wrdreg s19  }
0x25: {  	s5 =	sshrl.u32 s17, $0x1;
	s18 =	simm.s32 $0x13080;
	[dreg:$0xf] =	wrdreg s4  }
0x26: {  	v2 =	vlaneseq.u32;
	s19 =	simm.s32 $0xB080;
	s20 =	ssub.s32 s17, s5;
	s4 =	sadd.s32 $0x100, s2  }
0x27: {  	vm0 =	vmmov $0xffff;
	v1 =	vshrl.u32 v2, $0x3;
	s5 =	sadd.s32 $0x200, s2;
	s17 =	simm.s32 $0x12880;
	[dreg:$0x1c] =	wrdreg s19  }
0x28: {  	v0 =	vand.u32 $0x7, v2;
	v2 =	vor.u32 $0x8, v2;
	v1 =	vmul.u32 $0x8, v1;
	s6 =	smax.u32 s20, $0x1;
	s19 =	simm.s32 $0x13880;
	s20 =	simm.s32 $0x14080  }
.LBB2_1:
0x29: {  	s1 =	rddreg [dreg:$0x4]  }
0x2a: {  	[tilespmem:s3], [sflag:$0x5] =	stream.linear.gather [hbm4b:s1+s3], $0x80, $0x38;
	[tilespmem:$0x18080] =	vst v63  }
0x2b: {  	_ =	swait.ge [sflag:s7], $0x80  }
0x2c: {  	[sflag:s7] =	ssyncset.done $0x0  }
0x2d: {  	[sflag:s7] =	ssyncadd.s32 $0xFFFFFF80  }
0x2e: {  	v3 =	vld [tilespmem:$0x0];
	_ =	sdelay $0x4  }
0x2f: {  	v4 =	vshrl.u32 v3, $0x3  }
0x30: {  	v4 =	vmul.u32 $0x30, v4  }
0x31: {  	v3 =	vand.u32 $0x7, v3  }
0x32: {  	v3 =	vor.u32 v3, v4  }
0x33: {  	v4 =	vperm.xlane v3, v0;
	_ =	sdelay $0x1  }
0x34: {  	v4 =	vadd.s32 v1, v4;
	_ =	sdelay $0x3  }
0x35: {  	v3 =	vperm.xlane v3, v2  }
0x36: {  	[tilespmem:s8], [sflag:$0x1] =	stream.indirect_vreg.gather [hbm4b:s2+s3], $0x80, v4, vm0, $0xb8;
	[tilespmem:$0x18080] =	vst v63  }
0x37: {  	s1 =	rddreg [dreg:$0x7];
	v3 =	vadd.s32 v1, v3  }
0x38: {  	[tilespmem:s1], [sflag:$0x1] =	stream.indirect_vreg.gather [hbm4b:s4+s3], $0x80, v4, vm0, $0xb8;
	[tilespmem:$0x18080] =	vst v63  }
0x39: {  	s10 =	rddreg [dreg:$0x8]  }
0x3a: {  	[tilespmem:s10], [sflag:$0x1] =	stream.indirect_vreg.gather [hbm4b:s5+s3], $0x80, v4, vm0, $0xb8;
	[tilespmem:$0x18080] =	vst v63  }
0x3b: {  	s1 =	rddreg [dreg:$0x9]  }
0x3c: {  	[tilespmem:s1], [sflag:$0x1] =	stream.indirect_vreg.gather [hbm4b:s2+s3], $0x80, v3, vm0, $0xb8;
	[tilespmem:$0x18080] =	vst v63  }
0x3d: {  	s10 =	rddreg [dreg:$0xa]  }
0x3e: {  	[tilespmem:s10], [sflag:$0x1] =	stream.indirect_vreg.gather [hbm4b:s4+s3], $0x80, v3, vm0, $0xb8;
	[tilespmem:$0x18080] =	vst v63  }
0x3f: {  	s1 =	rddreg [dreg:$0xb]  }
0x40: {  	[tilespmem:s1], [sflag:$0x1] =	stream.indirect_vreg.gather [hbm4b:s5+s3], $0x80, v3, vm0, $0xb8;
	[tilespmem:$0x18080] =	vst v63  }
0x41: {  	v3 =	vld [tilespmem:$0x10];
	_ =	sdelay $0x4  }
0x42: {  	v57 =	vshrl.u32 v3, $0x3  }
0x43: {  	v4 =	vmul.u32 $0x30, v57  }
0x44: {  	v3 =	vand.u32 $0x7, v3  }
0x45: {  	v3 =	vor.u32 v3, v4  }
0x46: {  	v4 =	vperm.xlane v3, v0;
	_ =	sdelay $0x1  }
0x47: {  	v4 =	vadd.s32 v1, v4;
	_ =	sdelay $0x3  }
0x48: {  	s1 =	rddreg [dreg:$0xc];
	v3 =	vperm.xlane v3, v2  }
0x49: {  	[tilespmem:s1], [sflag:$0x1] =	stream.indirect_vreg.gather [hbm4b:s2+s3], $0x80, v4, vm0, $0xb8;
	[tilespmem:$0x18080] =	vst v63  }
0x4a: {  	s10 =	rddreg [dreg:$0xd];
	v3 =	vadd.s32 v1, v3  }
0x4b: {  	[tilespmem:s10], [sflag:$0x1] =	stream.indirect_vreg.gather [hbm4b:s4+s3], $0x80, v4, vm0, $0xb8;
	[tilespmem:$0x18080] =	vst v63  }
0x4c: {  	s1 =	rddreg [dreg:$0xe]  }
0x4d: {  	[tilespmem:s1], [sflag:$0x1] =	stream.indirect_vreg.gather [hbm4b:s5+s3], $0x80, v4, vm0, $0xb8;
	[tilespmem:$0x18080] =	vst v63  }
0x4e: {  	s10 =	rddreg [dreg:$0xf]  }
0x4f: {  	[tilespmem:s10], [sflag:$0x1] =	stream.indirect_vreg.gather [hbm4b:s2+s3], $0x80, v3, vm0, $0xb8;
	[tilespmem:$0x18080] =	vst v63  }
0x50: {  	s1 =	rddreg [dreg:$0x10]  }
0x51: {  	[tilespmem:s1], [sflag:$0x1] =	stream.indirect_vreg.gather [hbm4b:s4+s3], $0x80, v3, vm0, $0xb8;
	[tilespmem:$0x18080] =	vst v63  }
0x52: {  	s10 =	rddreg [dreg:$0x11]  }
0x53: {  	[tilespmem:s10], [sflag:$0x1] =	stream.indirect_vreg.gather [hbm4b:s5+s3], $0x80, v3, vm0, $0xb8;
	[tilespmem:$0x18080] =	vst v63  }
0x54: {  	v3 =	vld [tilespmem:$0x20];
	_ =	sdelay $0x4  }
0x55: {  	v58 =	vshrl.u32 v3, $0x3  }
0x56: {  	v4 =	vmul.u32 $0x30, v58  }
0x57: {  	v3 =	vand.u32 $0x7, v3  }
0x58: {  	v3 =	vor.u32 v3, v4  }
0x59: {  	v4 =	vperm.xlane v3, v0;
	_ =	sdelay $0x1  }
0x5a: {  	v4 =	vadd.s32 v1, v4;
	_ =	sdelay $0x3  }
0x5b: {  	s1 =	rddreg [dreg:$0x12];
	v3 =	vperm.xlane v3, v2  }
0x5c: {  	[tilespmem:s1], [sflag:$0x1] =	stream.indirect_vreg.gather [hbm4b:s2+s3], $0x80, v4, vm0, $0xb8;
	[tilespmem:$0x18080] =	vst v63  }
0x5d: {  	s10 =	rddreg [dreg:$0x13];
	v3 =	vadd.s32 v1, v3  }
0x5e: {  	[tilespmem:s10], [sflag:$0x1] =	stream.indirect_vreg.gather [hbm4b:s4+s3], $0x80, v4, vm0, $0xb8;
	[tilespmem:$0x18080] =	vst v63  }
0x5f: {  	s1 =	rddreg [dreg:$0x14]  }
0x60: {  	[tilespmem:s1], [sflag:$0x1] =	stream.indirect_vreg.gather [hbm4b:s5+s3], $0x80, v4, vm0, $0xb8;
	[tilespmem:$0x18080] =	vst v63  }
0x61: {  	s10 =	rddreg [dreg:$0x15]  }
0x62: {  	[tilespmem:s10], [sflag:$0x1] =	stream.indirect_vreg.gather [hbm4b:s2+s3], $0x80, v3, vm0, $0xb8;
	[tilespmem:$0x18080] =	vst v63  }
0x63: {  	s1 =	rddreg [dreg:$0x16]  }
0x64: {  	[tilespmem:s1], [sflag:$0x1] =	stream.indirect_vreg.gather [hbm4b:s4+s3], $0x80, v3, vm0, $0xb8;
	[tilespmem:$0x18080] =	vst v63  }
0x65: {  	s10 =	rddreg [dreg:$0x17]  }
0x66: {  	[tilespmem:s10], [sflag:$0x1] =	stream.indirect_vreg.gather [hbm4b:s5+s3], $0x80, v3, vm0, $0xb8;
	[tilespmem:$0x18080] =	vst v63  }
0x67: {  	v3 =	vld [tilespmem:$0x30];
	_ =	sdelay $0x4  }
0x68: {  	v59 =	vshrl.u32 v3, $0x3  }
0x69: {  	v4 =	vmul.u32 $0x30, v59  }
0x6a: {  	v3 =	vand.u32 $0x7, v3  }
0x6b: {  	v3 =	vor.u32 v3, v4  }
0x6c: {  	v4 =	vperm.xlane v3, v0;
	_ =	sdelay $0x1  }
0x6d: {  	v4 =	vadd.s32 v1, v4;
	_ =	sdelay $0x3  }
0x6e: {  	s1 =	rddreg [dreg:$0x18];
	v3 =	vperm.xlane v3, v2  }
0x6f: {  	[tilespmem:s1], [sflag:$0x1] =	stream.indirect_vreg.gather [hbm4b:s2+s3], $0x80, v4, vm0, $0xb8;
	[tilespmem:$0x18080] =	vst v63  }
0x70: {  	s10 =	rddreg [dreg:$0x19];
	v3 =	vadd.s32 v1, v3  }
0x71: {  	[tilespmem:s10], [sflag:$0x1] =	stream.indirect_vreg.gather [hbm4b:s4+s3], $0x80, v4, vm0, $0xb8;
	[tilespmem:$0x18080] =	vst v63  }
0x72: {  	s1 =	rddreg [dreg:$0x1a]  }
0x73: {  	[tilespmem:s1], [sflag:$0x1] =	stream.indirect_vreg.gather [hbm4b:s5+s3], $0x80, v4, vm0, $0xb8;
	[tilespmem:$0x18080] =	vst v63  }
0x74: {  	s10 =	rddreg [dreg:$0x1b]  }
0x75: {  	[tilespmem:s10], [sflag:$0x1] =	stream.indirect_vreg.gather [hbm4b:s2+s3], $0x80, v3, vm0, $0xb8;
	[tilespmem:$0x18080] =	vst v63  }
0x76: {  	s1 =	rddreg [dreg:$0x1c]  }
0x77: {  	[tilespmem:s1], [sflag:$0x1] =	stream.indirect_vreg.gather [hbm4b:s4+s3], $0x80, v3, vm0, $0xb8;
	[tilespmem:$0x18080] =	vst v63  }
0x78: {  	s10 =	rddreg [dreg:$0x1d]  }
0x79: {  	[tilespmem:s10], [sflag:$0x1] =	stream.indirect_vreg.gather [hbm4b:s5+s3], $0x80, v3, vm0, $0xb8;
	[tilespmem:$0x18080] =	vst v63  }
0x7a: {  	v3 =	vld [tilespmem:$0x40];
	_ =	sdelay $0x4  }
0x7b: {  	v60 =	vshrl.u32 v3, $0x3  }
0x7c: {  	v4 =	vmul.u32 $0x30, v60  }
0x7d: {  	v3 =	vand.u32 $0x7, v3  }
0x7e: {  	v3 =	vor.u32 v3, v4  }
0x7f: {  	v4 =	vperm.xlane v3, v0;
	_ =	sdelay $0x1  }
0x80: {  	v4 =	vadd.s32 v1, v4;
	_ =	sdelay $0x3  }
0x81: {  	s1 =	rddreg [dreg:$0x1e];
	v3 =	vperm.xlane v3, v2  }
0x82: {  	[tilespmem:s9], [sflag:$0x2] =	stream.indirect_vreg.gather [hbm4b:s2+s3], $0x80, v4, vm0, $0xb8;
	[tilespmem:$0x18080] =	vst v63  }
0x83: {  	s10 =	rddreg [dreg:$0x1f];
	v3 =	vadd.s32 v1, v3  }
0x84: {  	[tilespmem:s1], [sflag:$0x2] =	stream.indirect_vreg.gather [hbm4b:s4+s3], $0x80, v4, vm0, $0xb8;
	[tilespmem:$0x18080] =	vst v63  }
0x85: {  	s1 =	sld [smem:$0x7FB]  }
0x86: {  	[tilespmem:s10], [sflag:$0x2] =	stream.indirect_vreg.gather [hbm4b:s5+s3], $0x80, v4, vm0, $0xb8;
	[tilespmem:$0x18080] =	vst v63  }
0x87: {  	s10 =	sld [smem:$0x7FC]  }
0x88: {  	[tilespmem:s1], [sflag:$0x2] =	stream.indirect_vreg.gather [hbm4b:s2+s3], $0x80, v3, vm0, $0xb8;
	[tilespmem:$0x18080] =	vst v63  }
0x89: {  	s1 =	sld [smem:$0x7FD]  }
0x8a: {  	[tilespmem:s10], [sflag:$0x2] =	stream.indirect_vreg.gather [hbm4b:s4+s3], $0x80, v3, vm0, $0xb8;
	[tilespmem:$0x18080] =	vst v63  }
0x8b: {  	_ = 	snop  }
0x8c: {  	[tilespmem:s1], [sflag:$0x2] =	stream.indirect_vreg.gather [hbm4b:s5+s3], $0x80, v3, vm0, $0xb8;
	[tilespmem:$0x18080] =	vst v63  }
0x8d: {  	v3 =	vld [tilespmem:$0x50];
	_ =	sdelay $0x4  }
0x8e: {  	v61 =	vshrl.u32 v3, $0x3  }
0x8f: {  	v4 =	vmul.u32 $0x30, v61  }
0x90: {  	v3 =	vand.u32 $0x7, v3  }
0x91: {  	v3 =	vor.u32 v3, v4  }
0x92: {  	v4 =	vperm.xlane v3, v0;
	_ =	sdelay $0x1  }
0x93: {  	v4 =	vadd.s32 v1, v4;
	_ =	sdelay $0x3  }
0x94: {  	s10 =	simm.s32 $0xF080;
	v3 =	vperm.xlane v3, v2  }
0x95: {  	[tilespmem:s10], [sflag:$0x2] =	stream.indirect_vreg.gather [hbm4b:s2+s3], $0x80, v4, vm0, $0xb8;
	[tilespmem:$0x18080] =	vst v63  }
0x96: {  	v3 =	vadd.s32 v1, v3  }
0x97: {  	[tilespmem:s11], [sflag:$0x2] =	stream.indirect_vreg.gather [hbm4b:s4+s3], $0x80, v4, vm0, $0xb8;
	[tilespmem:$0x18080] =	vst v63  }
0x98: {  	_ = 	snop  }
0x99: {  	[tilespmem:s12], [sflag:$0x2] =	stream.indirect_vreg.gather [hbm4b:s5+s3], $0x80, v4, vm0, $0xb8;
	[tilespmem:$0x18080] =	vst v63  }
0x9a: {  	_ = 	snop  }
0x9b: {  	[tilespmem:s13], [sflag:$0x2] =	stream.indirect_vreg.gather [hbm4b:s2+s3], $0x80, v3, vm0, $0xb8;
	[tilespmem:$0x18080] =	vst v63  }
0x9c: {  	_ = 	snop  }
0x9d: {  	[tilespmem:s14], [sflag:$0x2] =	stream.indirect_vreg.gather [hbm4b:s4+s3], $0x80, v3, vm0, $0xb8;
	[tilespmem:$0x18080] =	vst v63  }
0x9e: {  	_ = 	snop  }
0x9f: {  	[tilespmem:s15], [sflag:$0x2] =	stream.indirect_vreg.gather [hbm4b:s5+s3], $0x80, v3, vm0, $0xb8;
	[tilespmem:$0x18080] =	vst v63  }
0xa0: {  	v3 =	vld [tilespmem:$0x60];
	_ =	sdelay $0x4  }
0xa1: {  	v62 =	vshrl.u32 v3, $0x3  }
0xa2: {  	v4 =	vmul.u32 $0x30, v62  }
0xa3: {  	v3 =	vand.u32 $0x7, v3  }
0xa4: {  	v3 =	vor.u32 v3, v4  }
0xa5: {  	v4 =	vperm.xlane v3, v0;
	_ =	sdelay $0x1  }
0xa6: {  	v4 =	vadd.s32 v1, v4;
	_ =	sdelay $0x3  }
0xa7: {  	v3 =	vperm.xlane v3, v2  }
0xa8: {  	[tilespmem:s16], [sflag:$0x2] =	stream.indirect_vreg.gather [hbm4b:s2+s3], $0x80, v4, vm0, $0xb8;
	[tilespmem:$0x18080] =	vst v63  }
0xa9: {  	v3 =	vadd.s32 v1, v3  }
0xaa: {  	[tilespmem:s17], [sflag:$0x2] =	stream.indirect_vreg.gather [hbm4b:s4+s3], $0x80, v4, vm0, $0xb8;
	[tilespmem:$0x18080] =	vst v63  }
0xab: {  	_ = 	snop  }
0xac: {  	[tilespmem:s18], [sflag:$0x2] =	stream.indirect_vreg.gather [hbm4b:s5+s3], $0x80, v4, vm0, $0xb8;
	[tilespmem:$0x18080] =	vst v63  }
0xad: {  	_ = 	snop  }
0xae: {  	[tilespmem:s19], [sflag:$0x2] =	stream.indirect_vreg.gather [hbm4b:s2+s3], $0x80, v3, vm0, $0xb8;
	[tilespmem:$0x18080] =	vst v63  }
0xaf: {  	_ = 	snop  }
0xb0: {  	[tilespmem:s20], [sflag:$0x2] =	stream.indirect_vreg.gather [hbm4b:s4+s3], $0x80, v3, vm0, $0xb8;
	[tilespmem:$0x18080] =	vst v63  }
0xb1: {  	_ = 	snop  }
0xb2: {  	[tilespmem:s21], [sflag:$0x2] =	stream.indirect_vreg.gather [hbm4b:s5+s3], $0x80, v3, vm0, $0xb8;
	[tilespmem:$0x18080] =	vst v63  }
0xb3: {  	v3 =	vld [tilespmem:$0x70];
	_ =	sdelay $0x4  }
0xb4: {  	v63 =	vshrl.u32 v3, $0x3  }
0xb5: {  	v4 =	vmul.u32 $0x30, v63  }
0xb6: {  	v3 =	vand.u32 $0x7, v3  }
0xb7: {  	v3 =	vor.u32 v3, v4  }
0xb8: {  	v4 =	vperm.xlane v3, v0;
	_ =	sdelay $0x1  }
0xb9: {  	v4 =	vadd.s32 v1, v4;
	_ =	sdelay $0x3  }
0xba: {  	v3 =	vperm.xlane v3, v2  }
0xbb: {  	[tilespmem:s22], [sflag:$0x2] =	stream.indirect_vreg.gather [hbm4b:s2+s3], $0x80, v4, vm0, $0xb8;
	[tilespmem:$0x18080] =	vst v63  }
0xbc: {  	v3 =	vadd.s32 v1, v3  }
0xbd: {  	[tilespmem:s23], [sflag:$0x2] =	stream.indirect_vreg.gather [hbm4b:s4+s3], $0x80, v4, vm0, $0xb8;
	[tilespmem:$0x18080] =	vst v63  }
0xbe: {  	_ = 	snop  }
0xbf: {  	[tilespmem:s24], [sflag:$0x2] =	stream.indirect_vreg.gather [hbm4b:s5+s3], $0x80, v4, vm0, $0xb8;
	[tilespmem:$0x18080] =	vst v63  }
0xc0: {  	_ = 	snop  }
0xc1: {  	[tilespmem:s25], [sflag:$0x2] =	stream.indirect_vreg.gather [hbm4b:s2+s3], $0x80, v3, vm0, $0xb8;
	[tilespmem:$0x18080] =	vst v63  }
0xc2: {  	_ = 	snop  }
0xc3: {  	[tilespmem:s26], [sflag:$0x2] =	stream.indirect_vreg.gather [hbm4b:s4+s3], $0x80, v3, vm0, $0xb8;
	[tilespmem:$0x18080] =	vst v63  }
0xc4: {  	_ = 	snop  }
0xc5: {  	[tilespmem:s28], [sflag:$0x2] =	stream.indirect_vreg.gather [hbm4b:s5+s3], $0x80, v3, vm0, $0xb8;
	[tilespmem:$0x18080] =	vst v63  }
0xc6: {  	_ =	swait.ge [sflag:s29], $0xC000  }
0xc7: {  	[sflag:s29] =	ssyncset.done $0x0  }
0xc8: {  	s10 =	rddreg [dreg:$0x5];
	[sflag:s29] =	ssyncadd.s32 $0xFFFF4000  }
0xc9: {  	[hbm4b:s10+s3] =	stream.linear.scatter [tilespmem:s8], [sflag:$0x3], $0xC000, $0x38;
	[tilespmem:$0x18080] =	vst v63  }
0xca: {  	_ =	swait.ge [sflag:s30], $0xC000  }
0xcb: {  	[sflag:s30] =	ssyncset.done $0x0  }
0xcc: {  	s10 =	rddreg [dreg:$0x6];
	[sflag:s30] =	ssyncadd.s32 $0xFFFF4000  }
0xcd: {  	[hbm4b:s10+s3] =	stream.linear.scatter [tilespmem:s9], [sflag:$0x4], $0xC000, $0x38;
	[tilespmem:$0x18080] =	vst v63  }
0xce: {  	p0 =	sne.s32 s6, $0x1;
	_ =	swait.ge [sflag:s31], $0xC000  }
.Ltmp0:
0xcf: {  	[sflag:s31] =	ssyncset.done $0x0;
	(pc) =	sbr.rel @p0 .LBB2_1-.Ltmp0, $4  }
0xd0: {  	[sflag:s31] =	ssyncadd.s32 $0xFFFF4000  }
0xd1: {  	_ =	swait.ge [sflag:s0], $0xC000  }
0xd2: {  	[sflag:s0] =	ssyncset.done $0x0  }
0xd3: {  	s6 =	sadd.s32 $0xFFFFFFFF, s6;
	[sflag:s0] =	ssyncadd.s32 $0xFFFF4000  }
0xd4: {  	_ =	sfence.sel $0x180000  }
0xd5: {  	[bflag:$0x0] =	sbarrier.arrive $0xFFFF  }
0xd6: {  	_ =	strace $0x90000047  }
0xd7: {  	s0 =	stileid.u32;
	[bflag:$0x2] =	sbarrier.arrive $0xFFFF  }
0xd8: {  	p0 =	sne.s32 s0, $0x0;
	s0 =	rddreg [dreg:$0x3]  }
0xd9: {  	s0 =	sadd.s32 @!p0 $0x100000, s0  }
0xda: {  	[sflag:s0] =	ssyncadd.tile.s32 @!p0 $0x1;
	_ =	shalt  }
.Lfunc_end2:
_tile_overlayer_lowered:
.L_overlay_start_2:
0xdb: {  	(tag) =	ssettag $0x2  }
0xdc: {  	s0 =	rddreg [dreg:$0x0];
	s2 =	stileid.u32  }
0xdd: {  	s1 =	rddreg [dreg:$0x1];
	p0 =	sne.s32 s2, $0x0  }
0xde: {  	s3 =	rddreg [dreg:$0x2];
	[bflag:$0x3] =	sbarrier.arrive $0xFFFF;
	s2 =	simm.s32 @!p0 $0x1C05  }
0xdf: {  	[timem:s3], [sflag:s2] =	dma.local @!p0 [hbm:s0], s1  }
0xe0: {  	s0 =	simm.s32 @!p0 $0x5  }
0xe1: {  	_ =	swait.ge @!p0 [sflag:s0], s1  }
0xe2: {  	s1 =	ssub.s32 @!p0 $0x0, s1;
	[sflag:s0] =	ssyncset.done @!p0 $0x0  }
0xe3: {  	[sflag:s0] =	ssyncadd.s32 @!p0 s1  }
0xe4: {  	[bflag:$0x3] =	sbarrier.arrive $0xFFFF  }
0xe5: {  	_ =	shalt  }

// kernel: kernel.9.cloned.1.call-start
scs
__scs_entry_jumppad:
0x0: {  	(pc) =	sbr.rel $0x88, $3  }
0x1: {  	(tag) =	ssettag $0x0;
	lr =	simm.s32 $0x1  }
0x2: {  	[smem:$0x3F9C] =	sst lr;
	_ =	strace $0xD0000000  }
0x3: {  	_ = 	snop  }
0x4: {  	_ = 	snop  }
0x5: {  	_ = 	snop  }
0x6: {  	_ = 	snop  }
0x7: {  	_ = 	snop  }
__scs_overlays_trampoline_lowered:
0x8: {  	[smem:$0x3FAB] =	sst s0  }
0x9: {  	[smem:$0x3FAC] =	sst s1  }
0xa: {  	[smem:$0x3FAD] =	sst s2  }
0xb: {  	[smem:$0x3FAE] =	sst s3  }
0xc: {  	[smem:$0x3FAF] =	sst s4  }
0xd: {  	[smem:$0x3FB0] =	sst s5  }
0xe: {  	[smem:$0x3FB1] =	sst s6  }
0xf: {  	[smem:$0x3FB2] =	sst s7  }
0x10: {  	[smem:$0x3FB3] =	sst s8  }
0x11: {  	[smem:$0x3FB4] =	sst s9;
	s0 =	simm.s32 @!p0 $0x0  }
0x12: {  	s1 =	sld [smem:$0x3F9A];
	s0 =	simm.s32 @p0 $0x1  }
0x13: {  	[smem:$0x3FB5] =	sst s0;
	s0 =	simm.s32 @!p1 $0x0  }
0x14: {  	s2 =	sld [smem:$0x3F99];
	s0 =	simm.s32 @p1 $0x1  }
0x15: {  	[smem:$0x3FB6] =	sst s0;
	s0 =	simm.s32 @!p2 $0x0  }
0x16: {  	s3 =	sld [smem:$0x3FDB];
	s0 =	simm.s32 @p2 $0x1  }
0x17: {  	s4 =	simm.s32 $0x1BF5;
	[smem:$0x3FB8] =	sst s0  }
0x18: {  	s0 =	sld [smem:$0x3F9B];
	_ =	swait.ge [sflag:s4], $0x0  }
0x19: {  	s7 =	sld [smem:$0x3F9C]  }
0x1a: {  	s8 =	sadd.s32 $0xFFFFE003, lr  }
0x1b: {  	s9 =	sadd.s32 $0xFFFFFEF7, lr;
	s5 =	simm.s32 $0xFFFFFFFF;
	p2 =	slt.u32 s8, $0xFFFFF086  }
0x1c: {  	p1 =	slt.u32 s9, $0xF7A;
	s5 =	simm.s32 @!p2 $0x0  }
0x1d: {  	s5 =	simm.s32 @p1 $0x1;
	p0 =	seq.s32 s7, s2  }
0x1e: {  	s7 =	smul.u32 @!p0 $0xF7A, s2;
	p2 =	seq.s32 @!p0 s5, $0x0  }
0x1f: {  	s9 =	smul.u32 $0xF7A, s1;
	s8 =	simm.s32 @!p0 $0x1BF5;
	p2 =	por !p2, p0  }
0x20: {  	[sflag:s8] =	ssyncset.s32 @!p0 $0xFFFFF086;
	s6 =	sadd.s32 @!p0 s3, s7;
	s7 =	simm.s32 @!p0 $0x108  }
0x21: {  	s3 =	sadd.s32 s3, s9;
	s6 =	sadd.s32 @!p0 $0x88, s6;
	s7 =	simm.s32 @p2 $0x1082  }
0x22: {  	[simem:s7], [sflag:s8] =	dma.local @!p0 [hbm:s6], $0xF7A  }
0x23: {  	s9 =	sor.u32 $0xD0000000, s2;
	s6 =	simm.s32 $0x108;
	_ =	swait.ge @!p0 [sflag:s8], $0x0  }
0x24: {  	s3 =	sadd.s32 $0x88, s3;
	s6 =	simm.s32 @!p1 $0x1082;
	[sflag:s4] =	ssyncset.s32 $0xFFFFF086  }
0x25: {  	[simem:s6], [sflag:s4] =	dma.local [hbm:s3], $0xF7A  }
0x26: {  	[smem:$0x3F9C] =	sst s1;
	(tag) =	ssettag s2;
	_ =	strace s9  }
0x27: {  	s1 =	sld [smem:$0x3FAC]  }
0x28: {  	s2 =	sld [smem:$0x3FAD]  }
0x29: {  	s4 =	sld [smem:$0x3FAF]  }
0x2a: {  	p0 =	seq.s32 s5, $0x0;
	s5 =	sld [smem:$0x3FB0]  }
0x2b: {  	s6 =	sld [smem:$0x3FB1]  }
0x2c: {  	s7 =	sld [smem:$0x3FB2]  }
0x2d: {  	s3 =	simm.s32 $0x108;
	s8 =	sld [smem:$0x3FB3]  }
0x2e: {  	s3 =	simm.s32 @!p0 $0x1082;
	s9 =	sld [smem:$0x3FB4]  }
0x2f: {  	lr =	sadd.s32 s0, s3;
	s0 =	sld [smem:$0x3FAB]  }
0x30: {  	s3 =	sld [smem:$0x3FAE]  }
0x31: {  	[smem:$0x3FB7] =	sst s10  }
0x32: {  	s10 =	sld [smem:$0x3FB5];
	_ =	sdelay $0x3  }
0x33: {  	p0 =	seq.s32 s10, $0x1;
	s10 =	sld [smem:$0x3FB7];
	_ =	sdelay $0x3  }
0x34: {  	[smem:$0x3FB7] =	sst s10  }
0x35: {  	s10 =	sld [smem:$0x3FB6];
	_ =	sdelay $0x3  }
0x36: {  	p1 =	seq.s32 s10, $0x1;
	s10 =	sld [smem:$0x3FB7];
	_ =	sdelay $0x3  }
0x37: {  	[smem:$0x3FB7] =	sst s10  }
0x38: {  	s10 =	sld [smem:$0x3FB8]  }
0x39: {  	_ = 	snop;
	(pc) =	sbr.ind lr, $3  }
0x3a: {  	_ = 	snop  }
0x3b: {  	_ = 	snop  }
0x3c: {  	p2 =	seq.s32 s10, $0x1;
	s10 =	sld [smem:$0x3FB7]  }
0x3d: {  	_ =	shalt  }
0x3e: {  	_ =	shalt  }
0x3f: {  	_ =	shalt  }
0x40: {  	_ =	shalt  }
0x41: {  	_ =	shalt  }
0x42: {  	_ =	shalt  }
0x43: {  	_ =	shalt  }
0x44: {  	_ =	shalt  }
0x45: {  	_ =	shalt  }
0x46: {  	_ =	shalt  }
0x47: {  	_ =	shalt  }
0x48: {  	_ =	shalt  }
0x49: {  	_ =	shalt  }
0x4a: {  	_ =	shalt  }
0x4b: {  	_ =	shalt  }
0x4c: {  	_ =	shalt  }
0x4d: {  	_ =	shalt  }
0x4e: {  	_ =	shalt  }
0x4f: {  	_ =	shalt  }
0x50: {  	_ =	shalt  }
0x51: {  	_ =	shalt  }
0x52: {  	_ =	shalt  }
0x53: {  	_ =	shalt  }
0x54: {  	_ =	shalt  }
0x55: {  	_ =	shalt  }
0x56: {  	_ =	shalt  }
0x57: {  	_ =	shalt  }
0x58: {  	_ =	shalt  }
0x59: {  	_ =	shalt  }
0x5a: {  	_ =	shalt  }
0x5b: {  	_ =	shalt  }
0x5c: {  	_ =	shalt  }
0x5d: {  	_ =	shalt  }
0x5e: {  	_ =	shalt  }
0x5f: {  	_ =	shalt  }
0x60: {  	_ =	shalt  }
0x61: {  	_ =	shalt  }
0x62: {  	_ =	shalt  }
0x63: {  	_ =	shalt  }
0x64: {  	_ =	shalt  }
0x65: {  	_ =	shalt  }
0x66: {  	_ =	shalt  }
0x67: {  	_ =	shalt  }
0x68: {  	_ =	shalt  }
0x69: {  	_ =	shalt  }
0x6a: {  	_ =	shalt  }
0x6b: {  	_ =	shalt  }
0x6c: {  	_ =	shalt  }
0x6d: {  	_ =	shalt  }
0x6e: {  	_ =	shalt  }
0x6f: {  	_ =	shalt  }
0x70: {  	_ =	shalt  }
0x71: {  	_ =	shalt  }
0x72: {  	_ =	shalt  }
0x73: {  	_ =	shalt  }
0x74: {  	_ =	shalt  }
0x75: {  	_ =	shalt  }
0x76: {  	_ =	shalt  }
0x77: {  	_ =	shalt  }
0x78: {  	_ =	shalt  }
0x79: {  	_ =	shalt  }
0x7a: {  	_ =	shalt  }
0x7b: {  	_ =	shalt  }
0x7c: {  	_ =	shalt  }
0x7d: {  	_ =	shalt  }
0x7e: {  	_ =	shalt  }
0x7f: {  	_ =	shalt  }
0x80: {  	_ =	shalt  }
0x81: {  	_ =	shalt  }
0x82: {  	_ =	shalt  }
0x83: {  	_ =	shalt  }
0x84: {  	_ =	shalt  }
0x85: {  	_ =	shalt  }
0x86: {  	_ =	shalt  }
0x87: {  	_ =	shalt  }
.Lfunc_end0:
.L_simem_size_0:
called_computation.1_lowered:
.L_overlay_start_0:
0x88: {  	s2 =	sld [smem:$0x3FD9]  }
0x89: {  	s3 =	sld [smem:$0x3FFE];
	_ =	sdelay $0x1  }
0x8a: {  	s1 =	srdreg.scid  }
0x8b: {  	s0 =	sand.u32 $0x1, s1  }
0x8c: {  	s17 =	sshll.u32 s0, $0xA;
	s2 =	sadd.s32 s3, s2  }
0x8d: {  	s2 =	sadd.s32 s2, s17  }
0x8e: {  	[smem:$0x3FC3] =	sst s2  }
0x8f: {  	_ = 	snop  }
0x90: {  	s18 =	sld [smem:$0x3FC9]  }
0x91: {  	s4 =	sld [smem:$0x3FC8];
	(tm) =	ssettm $0x1  }
0x92: {  	s19 =	sld [smem:$0x3FFB];
	_ =	sdelay $0x3  }
0x93: {  	_ =	strace s19  }
0x94: {  	s2 =	sld [smem:$0x3FFC];
	_ =	sdelay $0x3  }
0x95: {  	_ =	strace s2  }
0x96: {  	s2 =	sld [smem:$0x3FFD];
	_ =	sdelay $0x3  }
0x97: {  	_ =	strace s2  }
0x98: {  	_ =	strace $0x8FFFFFFF  }
0x99: {  	s20 =	sld [smem:$0x3FDB];
	_ =	sdelay $0x1  }
0x9a: {  	s5 =	simm.s32 $_scs_section_size  }
0x9b: {  	s6 =	simm.s32 $_size__tile_overlayer_lowered;
	s7 =	simm.s32 $_tile_overlayer_lowered  }
0x9c: {  	s8 =	simm.s32 $0x1BFF;
	s21 =	sshll.u32 s7, $0x1;
	s5 =	sadd.s32 s5, s20  }
0x9d: {  	s22 =	simm.s32 $0x0;
	s6 =	sshll.u32 s6, $0x1;
	s7 =	sadd.s32 s21, s5  }
0x9e: {  	[timem:s22], [sflag:s8] =	dma.local [hbm:s7], s6  }
0x9f: {  	_ =	swait.ge [sflag:s8], s6  }
0xa0: {  	s6 =	ssub.s32 $0x0, s6;
	[sflag:s8] =	ssyncset.done $0x0  }
0xa1: {  	[sflag:s8] =	ssyncadd.s32 s6;
	_ =	sdelay $0x1  }
0xa2: {  	s23 =	simm.s32 $0x1B8B  }
0xa3: {  	_ =	swait.ge [sflag:s23], $0x1  }
0xa4: {  	[sflag:s23] =	ssyncset.done $0x0  }
0xa5: {  	[sflag:s23] =	ssyncadd.s32 $0xFFFFFFFF  }
0xa6: {  	s6 =	sld [smem:$0x0]  }
0xa7: {  	s7 =	sand.u32 $0xFFFFFFFE, s1  }
0xa8: {  	p0 =	sne.s32 s1, s7  }
0xa9: {  	s7 =	sshll.u32 @p0 s7, $0xE  }
0xaa: {  	s7 =	sadd.s32 @p0 $0x11B8D, s7;
	s8 =	sshll.u32 @p0 s6, $0x11  }
0xab: {  	s7 =	sor.u32 @p0 s8, s7  }
0xac: {  	[sflag:s7] =	ssyncadd.remote.s32 @p0 $0x1;
	_ =	sdelay $0x1  }
0xad: {  	s7 =	simm.s32 @p0 $0x1B8D  }
0xae: {  	_ =	swait.eq @p0 [sflag:s7], $0x1  }
0xaf: {  	[sflag:s7] =	ssyncadd.s32 @p0 $0xFFFFFFFF  }
0xb0: {  	s8 =	sshll.u32 @!p0 s1, $0xE  }
0xb1: {  	s8 =	sor.u32 @!p0 $0x4000, s8;
	s7 =	simm.s32 @!p0 $0x1B8D  }
0xb2: {  	s6 =	sshll.u32 @!p0 s6, $0x11;
	s8 =	sadd.s32 @!p0 $0x11B8D, s8;
	_ =	swait.eq @!p0 [sflag:s7], $0x1  }
0xb3: {  	s6 =	sor.u32 @!p0 s6, s8;
	[sflag:s7] =	ssyncadd.s32 @!p0 $0xFFFFFFFF  }
0xb4: {  	s25 =	simm.s32 $0x1B8E;
	s24 =	sld [smem:$0x3FFE];
	[sflag:s6] =	ssyncadd.remote.s32 @!p0 $0x1  }
0xb5: {  	s26 =	simm.s32 $execute0_lowered;
	[smem:$0x3FD2] =	sst s25  }
0xb6: {  	s7 =	sshll.u32 s26, $0x1;
	_ =	strace $0x80000049;
	[dreg:$0x1] =	wrdreg $0xFFFFFFFF  }
0xb7: {  	s28 =	simm.s32 $_size_execute0_lowered;
	s5 =	sadd.s32 s5, s7;
	[dreg:$0x0] =	wrdreg $0x0  }
0xb8: {  	s7 =	sshll.u32 s28, $0x1;
	[dreg:$0x2] =	wrdreg s5  }
0xb9: {  	[dreg:$0x3] =	wrdreg s7  }
0xba: {  	[dreg:$0x4] =	wrdreg $0xC0  }
0xbb: {  	_ =	task [dreg:s22], $0x5FFFF  }
0xbc: {  	[dreg:$0x1] =	wrdreg $0xFFFFFFFF  }
0xbd: {  	[dreg:$0x0] =	wrdreg $0x60  }
0xbe: {  	[dreg:$0x2] =	wrdreg s18  }
0xbf: {  	[dreg:$0x3] =	wrdreg s4  }
0xc0: {  	[dreg:$0x4] =	wrdreg s24  }
0xc1: {  	[dreg:$0x5] =	wrdreg $0xA  }
0xc2: {  	_ =	task.clear_ibuf [dreg:s22], $0x6FFFF;
	_ =	strace $0x90000049  }
0xc3: {  	s29 =	simm.s32 $0xA;
	_ =	strace $0x8000004B  }
0xc4: {  	_ =	swait.ge [sflag:s29], $0x1  }
0xc5: {  	[sflag:s29] =	ssyncadd.s32 $0xFFFFFFFF  }
0xc6: {  	_ =	strace $0x9000004B  }
0xc7: {  	_ =	sfence  }
0xc8: {  	s30 =	sld [smem:$0x0];
	_ =	sdelay $0x2  }
0xc9: {  	s31 =	sshll.u32 s1, $0xD;
	s1 =	sshrl.u32 s1, $0x2  }
0xca: {  	s4 =	sand.u32 $0x4000, s31;
	s1 =	sadd.s32 s1, s30  }
0xcb: {  	s0 =	sor.u32 s4, s0;
	s1 =	sshll.u32 s1, $0x11  }
0xcc: {  	s0 =	sor.u32 s1, s0  }
0xcd: {  	s0 =	sadd.s32 $0x8F2B, s0  }
0xce: {  	[sflag:s0] =	ssyncadd.remote.s32 $0x1  }
0xcf: {  	_ =	sfence.sel $0xFFFF  }
0xd0: {  	[dreg:$0x0] =	wrdreg $0xFFFFFFFF;
	(pc) =	sbr.abs _section_cstart, $3  }
0xd1: {  	[dreg:$0x1] =	wrdreg $0xFFFFFFFF  }
0xd2: {  	_ =	task.clear_ibuf [dreg:s22], $0x2FFFF;
	_ =	strace $0x9FFFFFFF  }
0xd3: {  	(tm) =	ssettm $0x7FFFFFFF  }
tec
execute0_lowered:
.L_overlay_start_1:
0x0: {  	(tag) =	ssettag $0x1  }
0x1: {  	s4 =	rddreg [dreg:$0x0]  }
0x2: {  	s2 =	rddreg [dreg:$0x1]  }
0x3: {  	s7 =	rddreg [dreg:$0x2];
	s3 =	simm.s32 $0x0  }
0x4: {  	s21 =	simm.s32 $0x880;
	[smem:$0x7FF] =	sst s3  }
0x5: {  	s22 =	simm.s32 $0x1080;
	_ =	strace $0x8000004A;
	[dreg:$0x7] =	wrdreg s21  }
0x6: {  	s23 =	simm.s32 $0x1880;
	[dreg:$0x8] =	wrdreg s22  }
0x7: {  	s24 =	simm.s32 $0x2080;
	[dreg:$0x9] =	wrdreg s23  }
0x8: {  	s1 =	srdreg.scid;
	s25 =	simm.s32 $0x2880;
	[dreg:$0xa] =	wrdreg s24  }
0x9: {  	s0 =	stileid.u32;
	s26 =	simm.s32 $0x3080;
	[dreg:$0xb] =	wrdreg s25  }
0xa: {  	s5 =	sshll.u32 s0, $0x1;
	s0 =	simm.s32 $0x3880;
	[dreg:$0xc] =	wrdreg s26  }
0xb: {  	s16 =	sadd.s32 $0x1200, s7;
	s7 =	simm.s32 $0x5080;
	[dreg:$0xd] =	wrdreg s0  }
0xc: {  	s9 =	simm.s32 $0x6080;
	s10 =	simm.s32 $0x6880;
	[dreg:$0x10] =	wrdreg s7  }
0xd: {  	s11 =	simm.s32 $0x7080;
	s12 =	simm.s32 $0x7880;
	[dreg:$0x12] =	wrdreg s9  }
0xe: {  	s13 =	simm.s32 $0x8080;
	s28 =	simm.s32 $0x17880;
	[dreg:$0x13] =	wrdreg s10  }
0xf: {  	s29 =	simm.s32 $0x1;
	s30 =	simm.s32 $0x2;
	[dreg:$0x14] =	wrdreg s11  }
0x10: {  	s31 =	simm.s32 $0x3;
	s1 =	sand.u32 $0x1, s1;
	[dreg:$0x15] =	wrdreg s12  }
0x11: {  	s6 =	sor.u32 s1, s5;
	[dreg:$0x16] =	wrdreg s13;
	s1 =	ssub.s32 $0x2, s1  }
0x12: {  	s21 =	simm.s32 $0xB880;
	s22 =	simm.s32 $0xC880;
	s23 =	simm.s32 $0xD080  }
0x13: {  	s24 =	simm.s32 $0xD880;
	s7 =	simm.s32 $0x5;
	[dreg:$0x1d] =	wrdreg s21  }
0x14: {  	s25 =	simm.s32 $0xE080;
	s26 =	simm.s32 $0xE880;
	[dreg:$0x1e] =	wrdreg s22  }
0x15: {  	s9 =	simm.s32 $0xC080;
	s11 =	simm.s32 $0xF880;
	[dreg:$0x1f] =	wrdreg s23  }
0x16: {  	s12 =	simm.s32 $0x10080;
	s13 =	simm.s32 $0x10880;
	[smem:$0x7FB] =	sst s24  }
0x17: {  	s8 =	sshll.u32 s6, $0x6;
	s14 =	smul.u32 $0x18000, s6;
	[smem:$0x7FC] =	sst s25  }
0x18: {  	s15 =	smul.u32 $0x3000, s6;
	s6 =	simm.s32 $0x4880;
	[smem:$0x7FD] =	sst s26  }
0x19: {  	s21 =	simm.s32 $0x14880;
	s22 =	simm.s32 $0x15080;
	s23 =	simm.s32 $0x15880  }
0x1a: {  	s24 =	simm.s32 $0x16080;
	s25 =	simm.s32 $0x16880;
	s26 =	simm.s32 $0x17080  }
0x1b: {  	s5 =	sor.u32 s8, s5;
	[dreg:$0xf] =	wrdreg s6;
	s8 =	simm.s32 $0x5880  }
0x1c: {  	s5 =	sand.u32 $0x3D0, s5;
	s17 =	sshrl.u32 s14, $0x3;
	s18 =	sadd.s32 s16, s15  }
0x1d: {  	[dreg:$0x11] =	wrdreg s8;
	s14 =	simm.s32 $0x8880;
	s15 =	simm.s32 $0x9080  }
0x1e: {  	s8 =	simm.s32 $0x80;
	s4 =	sadd.s32 s5, s4;
	[dreg:$0x5] =	wrdreg s18  }
0x1f: {  	s19 =	sadd.s32 s16, s17;
	s5 =	simm.s32 $0x4080;
	[dreg:$0x17] =	wrdreg s14  }
0x20: {  	[dreg:$0x18] =	wrdreg s15;
	s16 =	simm.s32 $0x9880;
	s17 =	simm.s32 $0xA080  }
0x21: {  	s18 =	simm.s32 $0xA880;
	s14 =	simm.s32 $0x11080;
	[dreg:$0xe] =	wrdreg s5  }
0x22: {  	s15 =	simm.s32 $0x11880;
	s4 =	sadd.s32 $0x20, s4;
	[dreg:$0x19] =	wrdreg s16  }
0x23: {  	s20 =	sadd.s32 $0x1800, s19;
	[dreg:$0x1a] =	wrdreg s17;
	s19 =	sshrl.u32 s1, $0x1  }
0x24: {  	[dreg:$0x1b] =	wrdreg s18;
	s5 =	sadd.s32 $0x200, s2;
	s16 =	simm.s32 $0x12080  }
0x25: {  	s17 =	simm.s32 $0x12880;
	s18 =	simm.s32 $0x13080;
	[dreg:$0x4] =	wrdreg s4  }
0x26: {  	v2 =	vlaneseq.u32;
	[dreg:$0x6] =	wrdreg s20;
	s20 =	simm.s32 $0xB080;
	s1 =	ssub.s32 s1, s19  }
0x27: {  	vm0 =	vmmov $0xffff;
	v1 =	vshrl.u32 v2, $0x3;
	s4 =	sadd.s32 $0x100, s2;
	s19 =	simm.s32 $0x13880;
	[dreg:$0x1c] =	wrdreg s20  }
0x28: {  	v0 =	vand.u32 $0x7, v2;
	v2 =	vor.u32 $0x8, v2;
	v1 =	vmul.u32 $0x8, v1;
	s6 =	smax.u32 s1, $0x1;
	s20 =	simm.s32 $0x14080;
	s1 =	simm.s32 $0x4  }
.LBB2_1:
0x29: {  	s0 =	rddreg [dreg:$0x4]  }
0x2a: {  	[tilespmem:s3], [sflag:$0x5] =	stream.linear.gather [hbm4b:s0+s3], $0x80, $0x38;
	[tilespmem:$0x18080] =	vst v63  }
0x2b: {  	_ =	swait.ge [sflag:s7], $0x80  }
0x2c: {  	[sflag:s7] =	ssyncset.done $0x0  }
0x2d: {  	[sflag:s7] =	ssyncadd.s32 $0xFFFFFF80  }
0x2e: {  	v3 =	vld [tilespmem:$0x0];
	_ =	sdelay $0x4  }
0x2f: {  	v4 =	vshrl.u32 v3, $0x3  }
0x30: {  	v4 =	vmul.u32 $0x30, v4  }
0x31: {  	v3 =	vand.u32 $0x7, v3  }
0x32: {  	v3 =	vor.u32 v3, v4  }
0x33: {  	v4 =	vperm.xlane v3, v0;
	_ =	sdelay $0x1  }
0x34: {  	v4 =	vadd.s32 v1, v4;
	_ =	sdelay $0x3  }
0x35: {  	v3 =	vperm.xlane v3, v2  }
0x36: {  	[tilespmem:s8], [sflag:$0x1] =	stream.indirect_vreg.gather [hbm4b:s2+s3], $0x80, v4, vm0, $0xb8;
	[tilespmem:$0x18080] =	vst v63  }
0x37: {  	s0 =	rddreg [dreg:$0x7];
	v3 =	vadd.s32 v1, v3  }
0x38: {  	[tilespmem:s0], [sflag:$0x1] =	stream.indirect_vreg.gather [hbm4b:s4+s3], $0x80, v4, vm0, $0xb8;
	[tilespmem:$0x18080] =	vst v63  }
0x39: {  	s10 =	rddreg [dreg:$0x8]  }
0x3a: {  	[tilespmem:s10], [sflag:$0x1] =	stream.indirect_vreg.gather [hbm4b:s5+s3], $0x80, v4, vm0, $0xb8;
	[tilespmem:$0x18080] =	vst v63  }
0x3b: {  	s0 =	rddreg [dreg:$0x9]  }
0x3c: {  	[tilespmem:s0], [sflag:$0x1] =	stream.indirect_vreg.gather [hbm4b:s2+s3], $0x80, v3, vm0, $0xb8;
	[tilespmem:$0x18080] =	vst v63  }
0x3d: {  	s10 =	rddreg [dreg:$0xa]  }
0x3e: {  	[tilespmem:s10], [sflag:$0x1] =	stream.indirect_vreg.gather [hbm4b:s4+s3], $0x80, v3, vm0, $0xb8;
	[tilespmem:$0x18080] =	vst v63  }
0x3f: {  	s0 =	rddreg [dreg:$0xb]  }
0x40: {  	[tilespmem:s0], [sflag:$0x1] =	stream.indirect_vreg.gather [hbm4b:s5+s3], $0x80, v3, vm0, $0xb8;
	[tilespmem:$0x18080] =	vst v63  }
0x41: {  	v3 =	vld [tilespmem:$0x10];
	_ =	sdelay $0x4  }
0x42: {  	v57 =	vshrl.u32 v3, $0x3  }
0x43: {  	v4 =	vmul.u32 $0x30, v57  }
0x44: {  	v3 =	vand.u32 $0x7, v3  }
0x45: {  	v3 =	vor.u32 v3, v4  }
0x46: {  	v4 =	vperm.xlane v3, v0;
	_ =	sdelay $0x1  }
0x47: {  	v4 =	vadd.s32 v1, v4;
	_ =	sdelay $0x3  }
0x48: {  	s0 =	rddreg [dreg:$0xc];
	v3 =	vperm.xlane v3, v2  }
0x49: {  	[tilespmem:s0], [sflag:$0x1] =	stream.indirect_vreg.gather [hbm4b:s2+s3], $0x80, v4, vm0, $0xb8;
	[tilespmem:$0x18080] =	vst v63  }
0x4a: {  	s10 =	rddreg [dreg:$0xd];
	v3 =	vadd.s32 v1, v3  }
0x4b: {  	[tilespmem:s10], [sflag:$0x1] =	stream.indirect_vreg.gather [hbm4b:s4+s3], $0x80, v4, vm0, $0xb8;
	[tilespmem:$0x18080] =	vst v63  }
0x4c: {  	s0 =	rddreg [dreg:$0xe]  }
0x4d: {  	[tilespmem:s0], [sflag:$0x1] =	stream.indirect_vreg.gather [hbm4b:s5+s3], $0x80, v4, vm0, $0xb8;
	[tilespmem:$0x18080] =	vst v63  }
0x4e: {  	s10 =	rddreg [dreg:$0xf]  }
0x4f: {  	[tilespmem:s10], [sflag:$0x1] =	stream.indirect_vreg.gather [hbm4b:s2+s3], $0x80, v3, vm0, $0xb8;
	[tilespmem:$0x18080] =	vst v63  }
0x50: {  	s0 =	rddreg [dreg:$0x10]  }
0x51: {  	[tilespmem:s0], [sflag:$0x1] =	stream.indirect_vreg.gather [hbm4b:s4+s3], $0x80, v3, vm0, $0xb8;
	[tilespmem:$0x18080] =	vst v63  }
0x52: {  	s10 =	rddreg [dreg:$0x11]  }
0x53: {  	[tilespmem:s10], [sflag:$0x1] =	stream.indirect_vreg.gather [hbm4b:s5+s3], $0x80, v3, vm0, $0xb8;
	[tilespmem:$0x18080] =	vst v63  }
0x54: {  	v3 =	vld [tilespmem:$0x20];
	_ =	sdelay $0x4  }
0x55: {  	v58 =	vshrl.u32 v3, $0x3  }
0x56: {  	v4 =	vmul.u32 $0x30, v58  }
0x57: {  	v3 =	vand.u32 $0x7, v3  }
0x58: {  	v3 =	vor.u32 v3, v4  }
0x59: {  	v4 =	vperm.xlane v3, v0;
	_ =	sdelay $0x1  }
0x5a: {  	v4 =	vadd.s32 v1, v4;
	_ =	sdelay $0x3  }
0x5b: {  	s0 =	rddreg [dreg:$0x12];
	v3 =	vperm.xlane v3, v2  }
0x5c: {  	[tilespmem:s0], [sflag:$0x1] =	stream.indirect_vreg.gather [hbm4b:s2+s3], $0x80, v4, vm0, $0xb8;
	[tilespmem:$0x18080] =	vst v63  }
0x5d: {  	s10 =	rddreg [dreg:$0x13];
	v3 =	vadd.s32 v1, v3  }
0x5e: {  	[tilespmem:s10], [sflag:$0x1] =	stream.indirect_vreg.gather [hbm4b:s4+s3], $0x80, v4, vm0, $0xb8;
	[tilespmem:$0x18080] =	vst v63  }
0x5f: {  	s0 =	rddreg [dreg:$0x14]  }
0x60: {  	[tilespmem:s0], [sflag:$0x1] =	stream.indirect_vreg.gather [hbm4b:s5+s3], $0x80, v4, vm0, $0xb8;
	[tilespmem:$0x18080] =	vst v63  }
0x61: {  	s10 =	rddreg [dreg:$0x15]  }
0x62: {  	[tilespmem:s10], [sflag:$0x1] =	stream.indirect_vreg.gather [hbm4b:s2+s3], $0x80, v3, vm0, $0xb8;
	[tilespmem:$0x18080] =	vst v63  }
0x63: {  	s0 =	rddreg [dreg:$0x16]  }
0x64: {  	[tilespmem:s0], [sflag:$0x1] =	stream.indirect_vreg.gather [hbm4b:s4+s3], $0x80, v3, vm0, $0xb8;
	[tilespmem:$0x18080] =	vst v63  }
0x65: {  	s10 =	rddreg [dreg:$0x17]  }
0x66: {  	[tilespmem:s10], [sflag:$0x1] =	stream.indirect_vreg.gather [hbm4b:s5+s3], $0x80, v3, vm0, $0xb8;
	[tilespmem:$0x18080] =	vst v63  }
0x67: {  	v3 =	vld [tilespmem:$0x30];
	_ =	sdelay $0x4  }
0x68: {  	v59 =	vshrl.u32 v3, $0x3  }
0x69: {  	v4 =	vmul.u32 $0x30, v59  }
0x6a: {  	v3 =	vand.u32 $0x7, v3  }
0x6b: {  	v3 =	vor.u32 v3, v4  }
0x6c: {  	v4 =	vperm.xlane v3, v0;
	_ =	sdelay $0x1  }
0x6d: {  	v4 =	vadd.s32 v1, v4;
	_ =	sdelay $0x3  }
0x6e: {  	s0 =	rddreg [dreg:$0x18];
	v3 =	vperm.xlane v3, v2  }
0x6f: {  	[tilespmem:s0], [sflag:$0x1] =	stream.indirect_vreg.gather [hbm4b:s2+s3], $0x80, v4, vm0, $0xb8;
	[tilespmem:$0x18080] =	vst v63  }
0x70: {  	s10 =	rddreg [dreg:$0x19];
	v3 =	vadd.s32 v1, v3  }
0x71: {  	[tilespmem:s10], [sflag:$0x1] =	stream.indirect_vreg.gather [hbm4b:s4+s3], $0x80, v4, vm0, $0xb8;
	[tilespmem:$0x18080] =	vst v63  }
0x72: {  	s0 =	rddreg [dreg:$0x1a]  }
0x73: {  	[tilespmem:s0], [sflag:$0x1] =	stream.indirect_vreg.gather [hbm4b:s5+s3], $0x80, v4, vm0, $0xb8;
	[tilespmem:$0x18080] =	vst v63  }
0x74: {  	s10 =	rddreg [dreg:$0x1b]  }
0x75: {  	[tilespmem:s10], [sflag:$0x1] =	stream.indirect_vreg.gather [hbm4b:s2+s3], $0x80, v3, vm0, $0xb8;
	[tilespmem:$0x18080] =	vst v63  }
0x76: {  	s0 =	rddreg [dreg:$0x1c]  }
0x77: {  	[tilespmem:s0], [sflag:$0x1] =	stream.indirect_vreg.gather [hbm4b:s4+s3], $0x80, v3, vm0, $0xb8;
	[tilespmem:$0x18080] =	vst v63  }
0x78: {  	s10 =	rddreg [dreg:$0x1d]  }
0x79: {  	[tilespmem:s10], [sflag:$0x1] =	stream.indirect_vreg.gather [hbm4b:s5+s3], $0x80, v3, vm0, $0xb8;
	[tilespmem:$0x18080] =	vst v63  }
0x7a: {  	v3 =	vld [tilespmem:$0x40];
	_ =	sdelay $0x4  }
0x7b: {  	v60 =	vshrl.u32 v3, $0x3  }
0x7c: {  	v4 =	vmul.u32 $0x30, v60  }
0x7d: {  	v3 =	vand.u32 $0x7, v3  }
0x7e: {  	v3 =	vor.u32 v3, v4  }
0x7f: {  	v4 =	vperm.xlane v3, v0;
	_ =	sdelay $0x1  }
0x80: {  	v4 =	vadd.s32 v1, v4;
	_ =	sdelay $0x3  }
0x81: {  	s0 =	rddreg [dreg:$0x1e];
	v3 =	vperm.xlane v3, v2  }
0x82: {  	[tilespmem:s9], [sflag:$0x2] =	stream.indirect_vreg.gather [hbm4b:s2+s3], $0x80, v4, vm0, $0xb8;
	[tilespmem:$0x18080] =	vst v63  }
0x83: {  	s10 =	rddreg [dreg:$0x1f];
	v3 =	vadd.s32 v1, v3  }
0x84: {  	[tilespmem:s0], [sflag:$0x2] =	stream.indirect_vreg.gather [hbm4b:s4+s3], $0x80, v4, vm0, $0xb8;
	[tilespmem:$0x18080] =	vst v63  }
0x85: {  	s0 =	sld [smem:$0x7FB]  }
0x86: {  	[tilespmem:s10], [sflag:$0x2] =	stream.indirect_vreg.gather [hbm4b:s5+s3], $0x80, v4, vm0, $0xb8;
	[tilespmem:$0x18080] =	vst v63  }
0x87: {  	s10 =	sld [smem:$0x7FC]  }
0x88: {  	[tilespmem:s0], [sflag:$0x2] =	stream.indirect_vreg.gather [hbm4b:s2+s3], $0x80, v3, vm0, $0xb8;
	[tilespmem:$0x18080] =	vst v63  }
0x89: {  	s0 =	sld [smem:$0x7FD]  }
0x8a: {  	[tilespmem:s10], [sflag:$0x2] =	stream.indirect_vreg.gather [hbm4b:s4+s3], $0x80, v3, vm0, $0xb8;
	[tilespmem:$0x18080] =	vst v63  }
0x8b: {  	_ = 	snop  }
0x8c: {  	[tilespmem:s0], [sflag:$0x2] =	stream.indirect_vreg.gather [hbm4b:s5+s3], $0x80, v3, vm0, $0xb8;
	[tilespmem:$0x18080] =	vst v63  }
0x8d: {  	v3 =	vld [tilespmem:$0x50];
	_ =	sdelay $0x4  }
0x8e: {  	v61 =	vshrl.u32 v3, $0x3  }
0x8f: {  	v4 =	vmul.u32 $0x30, v61  }
0x90: {  	v3 =	vand.u32 $0x7, v3  }
0x91: {  	v3 =	vor.u32 v3, v4  }
0x92: {  	v4 =	vperm.xlane v3, v0;
	_ =	sdelay $0x1  }
0x93: {  	v4 =	vadd.s32 v1, v4;
	_ =	sdelay $0x3  }
0x94: {  	s10 =	simm.s32 $0xF080;
	v3 =	vperm.xlane v3, v2  }
0x95: {  	[tilespmem:s10], [sflag:$0x2] =	stream.indirect_vreg.gather [hbm4b:s2+s3], $0x80, v4, vm0, $0xb8;
	[tilespmem:$0x18080] =	vst v63  }
0x96: {  	v3 =	vadd.s32 v1, v3  }
0x97: {  	[tilespmem:s11], [sflag:$0x2] =	stream.indirect_vreg.gather [hbm4b:s4+s3], $0x80, v4, vm0, $0xb8;
	[tilespmem:$0x18080] =	vst v63  }
0x98: {  	_ = 	snop  }
0x99: {  	[tilespmem:s12], [sflag:$0x2] =	stream.indirect_vreg.gather [hbm4b:s5+s3], $0x80, v4, vm0, $0xb8;
	[tilespmem:$0x18080] =	vst v63  }
0x9a: {  	_ = 	snop  }
0x9b: {  	[tilespmem:s13], [sflag:$0x2] =	stream.indirect_vreg.gather [hbm4b:s2+s3], $0x80, v3, vm0, $0xb8;
	[tilespmem:$0x18080] =	vst v63  }
0x9c: {  	_ = 	snop  }
0x9d: {  	[tilespmem:s14], [sflag:$0x2] =	stream.indirect_vreg.gather [hbm4b:s4+s3], $0x80, v3, vm0, $0xb8;
	[tilespmem:$0x18080] =	vst v63  }
0x9e: {  	_ = 	snop  }
0x9f: {  	[tilespmem:s15], [sflag:$0x2] =	stream.indirect_vreg.gather [hbm4b:s5+s3], $0x80, v3, vm0, $0xb8;
	[tilespmem:$0x18080] =	vst v63  }
0xa0: {  	v3 =	vld [tilespmem:$0x60];
	_ =	sdelay $0x4  }
0xa1: {  	v62 =	vshrl.u32 v3, $0x3  }
0xa2: {  	v4 =	vmul.u32 $0x30, v62  }
0xa3: {  	v3 =	vand.u32 $0x7, v3  }
0xa4: {  	v3 =	vor.u32 v3, v4  }
0xa5: {  	v4 =	vperm.xlane v3, v0;
	_ =	sdelay $0x1  }
0xa6: {  	v4 =	vadd.s32 v1, v4;
	_ =	sdelay $0x3  }
0xa7: {  	v3 =	vperm.xlane v3, v2  }
0xa8: {  	[tilespmem:s16], [sflag:$0x2] =	stream.indirect_vreg.gather [hbm4b:s2+s3], $0x80, v4, vm0, $0xb8;
	[tilespmem:$0x18080] =	vst v63  }
0xa9: {  	v3 =	vadd.s32 v1, v3  }
0xaa: {  	[tilespmem:s17], [sflag:$0x2] =	stream.indirect_vreg.gather [hbm4b:s4+s3], $0x80, v4, vm0, $0xb8;
	[tilespmem:$0x18080] =	vst v63  }
0xab: {  	_ = 	snop  }
0xac: {  	[tilespmem:s18], [sflag:$0x2] =	stream.indirect_vreg.gather [hbm4b:s5+s3], $0x80, v4, vm0, $0xb8;
	[tilespmem:$0x18080] =	vst v63  }
0xad: {  	_ = 	snop  }
0xae: {  	[tilespmem:s19], [sflag:$0x2] =	stream.indirect_vreg.gather [hbm4b:s2+s3], $0x80, v3, vm0, $0xb8;
	[tilespmem:$0x18080] =	vst v63  }
0xaf: {  	_ = 	snop  }
0xb0: {  	[tilespmem:s20], [sflag:$0x2] =	stream.indirect_vreg.gather [hbm4b:s4+s3], $0x80, v3, vm0, $0xb8;
	[tilespmem:$0x18080] =	vst v63  }
0xb1: {  	_ = 	snop  }
0xb2: {  	[tilespmem:s21], [sflag:$0x2] =	stream.indirect_vreg.gather [hbm4b:s5+s3], $0x80, v3, vm0, $0xb8;
	[tilespmem:$0x18080] =	vst v63  }
0xb3: {  	v3 =	vld [tilespmem:$0x70];
	_ =	sdelay $0x4  }
0xb4: {  	v63 =	vshrl.u32 v3, $0x3  }
0xb5: {  	v4 =	vmul.u32 $0x30, v63  }
0xb6: {  	v3 =	vand.u32 $0x7, v3  }
0xb7: {  	v3 =	vor.u32 v3, v4  }
0xb8: {  	v4 =	vperm.xlane v3, v0;
	_ =	sdelay $0x1  }
0xb9: {  	v4 =	vadd.s32 v1, v4;
	_ =	sdelay $0x3  }
0xba: {  	v3 =	vperm.xlane v3, v2  }
0xbb: {  	[tilespmem:s22], [sflag:$0x2] =	stream.indirect_vreg.gather [hbm4b:s2+s3], $0x80, v4, vm0, $0xb8;
	[tilespmem:$0x18080] =	vst v63  }
0xbc: {  	v3 =	vadd.s32 v1, v3  }
0xbd: {  	[tilespmem:s23], [sflag:$0x2] =	stream.indirect_vreg.gather [hbm4b:s4+s3], $0x80, v4, vm0, $0xb8;
	[tilespmem:$0x18080] =	vst v63  }
0xbe: {  	_ = 	snop  }
0xbf: {  	[tilespmem:s24], [sflag:$0x2] =	stream.indirect_vreg.gather [hbm4b:s5+s3], $0x80, v4, vm0, $0xb8;
	[tilespmem:$0x18080] =	vst v63  }
0xc0: {  	_ = 	snop  }
0xc1: {  	[tilespmem:s25], [sflag:$0x2] =	stream.indirect_vreg.gather [hbm4b:s2+s3], $0x80, v3, vm0, $0xb8;
	[tilespmem:$0x18080] =	vst v63  }
0xc2: {  	_ = 	snop  }
0xc3: {  	[tilespmem:s26], [sflag:$0x2] =	stream.indirect_vreg.gather [hbm4b:s4+s3], $0x80, v3, vm0, $0xb8;
	[tilespmem:$0x18080] =	vst v63  }
0xc4: {  	_ = 	snop  }
0xc5: {  	[tilespmem:s28], [sflag:$0x2] =	stream.indirect_vreg.gather [hbm4b:s5+s3], $0x80, v3, vm0, $0xb8;
	[tilespmem:$0x18080] =	vst v63  }
0xc6: {  	_ =	swait.ge [sflag:s29], $0xC000  }
0xc7: {  	[sflag:s29] =	ssyncset.done $0x0  }
0xc8: {  	s10 =	rddreg [dreg:$0x5];
	[sflag:s29] =	ssyncadd.s32 $0xFFFF4000  }
0xc9: {  	[hbm4b:s10+s3] =	stream.linear.scatter [tilespmem:s8], [sflag:$0x3], $0xC000, $0x38;
	[tilespmem:$0x18080] =	vst v63  }
0xca: {  	_ =	swait.ge [sflag:s30], $0xC000  }
0xcb: {  	[sflag:s30] =	ssyncset.done $0x0  }
0xcc: {  	s10 =	rddreg [dreg:$0x6];
	[sflag:s30] =	ssyncadd.s32 $0xFFFF4000  }
0xcd: {  	[hbm4b:s10+s3] =	stream.linear.scatter [tilespmem:s9], [sflag:$0x4], $0xC000, $0x38;
	[tilespmem:$0x18080] =	vst v63  }
0xce: {  	p0 =	sne.s32 s6, $0x1;
	_ =	swait.ge [sflag:s31], $0xC000  }
.Ltmp0:
0xcf: {  	[sflag:s31] =	ssyncset.done $0x0;
	(pc) =	sbr.rel @p0 .LBB2_1-.Ltmp0, $4  }
0xd0: {  	[sflag:s31] =	ssyncadd.s32 $0xFFFF4000  }
0xd1: {  	_ =	swait.ge [sflag:s1], $0xC000  }
0xd2: {  	[sflag:s1] =	ssyncset.done $0x0  }
0xd3: {  	s6 =	sadd.s32 $0xFFFFFFFF, s6;
	[sflag:s1] =	ssyncadd.s32 $0xFFFF4000  }
0xd4: {  	_ =	sfence.sel $0x180000  }
0xd5: {  	[bflag:$0x0] =	sbarrier.arrive $0xFFFF  }
0xd6: {  	_ =	strace $0x9000004A  }
0xd7: {  	s0 =	stileid.u32;
	[bflag:$0x2] =	sbarrier.arrive $0xFFFF  }
0xd8: {  	p0 =	sne.s32 s0, $0x0;
	s0 =	rddreg [dreg:$0x3]  }
0xd9: {  	s0 =	sadd.s32 @!p0 $0x100000, s0  }
0xda: {  	[sflag:s0] =	ssyncadd.tile.s32 @!p0 $0x1;
	_ =	shalt  }
.Lfunc_end2:
_tile_overlayer_lowered:
.L_overlay_start_2:
0xdb: {  	(tag) =	ssettag $0x2  }
0xdc: {  	s0 =	rddreg [dreg:$0x0];
	s2 =	stileid.u32  }
0xdd: {  	s1 =	rddreg [dreg:$0x1];
	p0 =	sne.s32 s2, $0x0  }
0xde: {  	s3 =	rddreg [dreg:$0x2];
	[bflag:$0x3] =	sbarrier.arrive $0xFFFF;
	s2 =	simm.s32 @!p0 $0x1C05  }
0xdf: {  	[timem:s3], [sflag:s2] =	dma.local @!p0 [hbm:s0], s1  }
0xe0: {  	s0 =	simm.s32 @!p0 $0x5  }
0xe1: {  	_ =	swait.ge @!p0 [sflag:s0], s1  }
0xe2: {  	s1 =	ssub.s32 @!p0 $0x0, s1;
	[sflag:s0] =	ssyncset.done @!p0 $0x0  }
0xe3: {  	[sflag:s0] =	ssyncadd.s32 @!p0 s1  }
0xe4: {  	[bflag:$0x3] =	sbarrier.arrive $0xFFFF  }
0xe5: {  	_ =	shalt  }

</sc_bundles>
